<compile_context>
chip_gen: v7x
topology: tpu7x:2x2x1
jax: 0.10.2.dev20260603
libtpu: 0.0.44.dev20260713+nightly
codegen_flags: <defaults>
</compile_context>

<pallas_src>
import functools

import jax
import jax.numpy as jnp
from jax import lax
from jax.experimental import pallas as pl
from jax.experimental.pallas import tpu as pltpu
from jax.experimental.pallas import tpu_sc as plsc

_B, _N, _M = 8, 2048, 2048
_SCALE = 1.0 / (_B * _N)


_BSC = 2
_PAD = 16
_NP = _N + _PAD
_NC, _NS = 2, 16
_NW = _NC * _NS
_CPB = _NS
_CHUNK = _N // _CPB
_GB = 8
_QT = _N // _CPB
_INF = 3.4e38


@functools.partial(
    pl.kernel,
    out_type=jax.ShapeDtypeStruct((_NW * 16,), jnp.float32),
    mesh=plsc.VectorSubcoreMesh(core_axis_name="c", subcore_axis_name="s"),
    scratch_types=[
        pltpu.VMEM((_CHUNK,), jnp.float32),
        pltpu.VMEM((_CHUNK,), jnp.float32),
        pltpu.VMEM((_CHUNK,), jnp.float32),
        pltpu.VMEM((_NP,), jnp.float32),
        pltpu.VMEM((_NP,), jnp.float32),
        pltpu.VMEM((_NP,), jnp.float32),
        pltpu.VMEM((_NP,), jnp.float32),
        pltpu.VMEM((_CPB * _QT,), jnp.float32),
        pltpu.VMEM((16,), jnp.float32),
        pltpu.VMEM_SHARED((_NS * _N,), jnp.float32),
    ],
)
def _sc_chamfer(flat_h, out_hbm,
                cx, cy, cz, fx, fy, fz, d2min, comb, sum_v, shared):
    c = lax.axis_index("c")
    s = lax.axis_index("s")
    b = c
    ck = s
    wid = c * _NS + s

    for d, dst in enumerate((cx, cy, cz)):
        off = (d * _BSC + b) * _NP + ck * _CHUNK
        pltpu.sync_copy(flat_h.at[pl.ds(off, _CHUNK)], dst)
    for d, dst in enumerate((fx, fy, fz)):
        off = ((3 + d) * _BSC + b) * _NP
        pltpu.sync_copy(flat_h.at[pl.ds(off, _NP)], dst)

    inf_v = jnp.full((16,), _INF, jnp.float32)

    def initbody(i, carry):
        d2min[pl.ds(i * 16, 16)] = inf_v
        return carry

    lax.fori_loop(0, _NP // 16, initbody, 0)

    px = [cx[pl.ds(k * 16, 16)] for k in range(_GB)]
    py = [cy[pl.ds(k * 16, 16)] for k in range(_GB)]
    pz = [cz[pl.ds(k * 16, 16)] for k in range(_GB)]
    init = tuple(jnp.full((16,), _INF, jnp.float32) for k in range(_GB))

    def obody(o, mins):
        tx = fx[pl.ds(o, 16)]
        ty = fy[pl.ds(o, 16)]
        tz = fz[pl.ds(o, 16)]
        new = []
        d2s = []
        for k in range(_GB):
            dx = px[k] - tx
            dy = py[k] - ty
            dz = pz[k] - tz
            d2 = dx * dx + dy * dy + dz * dz
            d2s.append(d2)
            new.append(jnp.minimum(mins[k], d2))
        while len(d2s) > 1:
            d2s = [jnp.minimum(a, b) for a, b in zip(d2s[::2], d2s[1::2])]
        d2min[pl.ds(o, 16)] = jnp.minimum(d2min[pl.ds(o, 16)], d2s[0])
        return tuple(new)

    mins = lax.fori_loop(0, _N, obody, init)
    total1 = jnp.zeros((16,), jnp.float32)
    for k in range(_GB):
        total1 = total1 + mins[k]

    d2min[pl.ds(0, 16)] = jnp.minimum(d2min[pl.ds(0, 16)],
                                      d2min[pl.ds(_N, 16)])

    pltpu.sync_copy(d2min.at[pl.ds(0, _N)], shared.at[pl.ds(s * _N, _N)])
    plsc.subcore_barrier()
    for r in range(_CPB):
        pltpu.sync_copy(shared.at[pl.ds(r * _N + s * _QT, _QT)],
                        comb.at[pl.ds(r * _QT, _QT)])

    def combbody(i, total2):
        m = comb[pl.ds(i * 16, 16)]
        for r in range(1, _CPB):
            m = jnp.minimum(m, comb[pl.ds(r * _QT + i * 16, 16)])
        return total2 + m

    total2 = lax.fori_loop(0, _QT // 16, combbody,
                           jnp.zeros((16,), jnp.float32))

    sum_v[...] = (total1 + total2) * _SCALE
    pltpu.sync_copy(sum_v, out_hbm.at[pl.ds(wid * 16, 16)])



_BTC = _B - _BSC


def _tc_body(p_ref, tT_ref, out_ref):
    b = pl.program_id(0)
    p = p_ref[0]
    tT = tT_ref[0]
    d2 = (p[:, 0:1] - tT[0:1, :]) ** 2
    d2 += (p[:, 1:2] - tT[1:2, :]) ** 2
    d2 += (p[:, 2:3] - tT[2:3, :]) ** 2
    s1 = jnp.sum(jnp.min(d2, axis=1))
    s2 = jnp.sum(jnp.min(d2, axis=0))

    @pl.when(b == 0)
    def _():
        out_ref[0, 0] = 0.0

    out_ref[0, 0] += (s1 + s2) * _SCALE


def _tc_chamfer(pred, tT):
    out = pl.pallas_call(
        _tc_body,
        grid=(_BTC,),
        in_specs=[
            pl.BlockSpec((1, _N, 3), lambda b: (b + _BSC, 0, 0)),
            pl.BlockSpec((1, 3, _M), lambda b: (b, 0, 0)),
        ],
        out_specs=pl.BlockSpec(memory_space=pltpu.SMEM),
        out_shape=jax.ShapeDtypeStruct((1, 1), jnp.float32),
        compiler_params=pltpu.CompilerParams(
            dimension_semantics=("arbitrary",),
        ),
    )(pred, tT)
    return out[0, 0]


def kernel(pred, target):
    pred = pred.astype(jnp.float32)
    target = target.astype(jnp.float32)
    pt = jnp.stack([pred[:_BSC], target[:_BSC]])
    ptp = jnp.concatenate([pt, pt[:, :, :_PAD]], axis=2)
    flat = ptp.transpose(0, 3, 1, 2).reshape(-1)
    sc_parts = _sc_chamfer(flat)
    tc_part = _tc_chamfer(pred, target[_BSC:].swapaxes(1, 2))
    return jnp.sum(sc_parts) + tc_part

# --- scband reference (transcript-rebuilt; emitter-appended) ---
"""Pipeline reference for scband-chamfer-distance-loss-65206193488018 (READ-ONLY COPY).

The authoritative reference and input builder live on the scoring server;
editing this copy changes nothing except your own understanding.
"""

import jax, jax.numpy as jnp
import numpy as np


def setup_inputs(seed: int = 0) -> dict:
    key = jax.random.key(seed)
    k1, k2 = jax.random.split(key)
    pred = jax.random.normal(k1, (8, 2048, 3), dtype=jnp.float32)
    target = jax.random.normal(k2, (8, 2048, 3), dtype=jnp.float32)
    return {"pred": pred, "target": target}


def _chamfer(pred, target):
    # pred: (B, N, 3), target: (B, M, 3)
    # pairwise squared distances: (B, N, M)
    diff = pred[:, :, None, :] - target[:, None, :, :]
    d2 = jnp.sum(diff * diff, axis=-1)
    dist1 = jnp.min(d2, axis=2)  # (B, N): nearest target for each pred point
    idx1 = jnp.argmin(d2, axis=2)
    dist2 = jnp.min(d2, axis=1)  # (B, M): nearest pred for each target point
    idx2 = jnp.argmin(d2, axis=1)
    return dist1, dist2, idx1, idx2


def reference(pred, target):
    dist1, dist2, idx1, idx2 = _chamfer(pred.astype(jnp.float32), target.astype(jnp.float32))
    loss = jnp.mean(dist1) + jnp.mean(dist2)
    return loss

if __name__ == "__main__":
    import jax
    _d = setup_inputs()
    print(jax.jit(kernel)(*tuple(_d.values())))

</pallas_src>

<mosaic_0001>
#map = affine_map<(d0, d1) -> (0)>
module attributes {stable_mosaic.version = 14 : i64} {
  func.func @_sc_chamfer(%arg0: i32, %arg1: i32, %arg2: memref<24768xf32, #tpu.memory_space<hbm>>, %arg3: memref<512xf32, #tpu.memory_space<hbm>>, %arg4: memref<128xf32, #tpu.memory_space<vmem>>, %arg5: memref<128xf32, #tpu.memory_space<vmem>>, %arg6: memref<128xf32, #tpu.memory_space<vmem>>, %arg7: memref<2064xf32, #tpu.memory_space<vmem>>, %arg8: memref<2064xf32, #tpu.memory_space<vmem>>, %arg9: memref<2064xf32, #tpu.memory_space<vmem>>, %arg10: memref<2064xf32, #tpu.memory_space<vmem>>, %arg11: memref<2048xf32, #tpu.memory_space<vmem>>, %arg12: memref<16xf32, #tpu.memory_space<vmem>>, %arg13: memref<32768xf32, #tpu.memory_space<vmem_shared>>) attributes {dimension_semantics = [#tpu.dimension_semantics<core_parallel>, #tpu.dimension_semantics<subcore_parallel>], iteration_bounds = array<i64: 2, 16>, scalar_prefetch = 0 : i64, scratch_operands = 10 : i64, tpu.core_type = #tpu.core_type<sc_vector_subcore>, window_params = [{transform_indices = #map}, {transform_indices = #map}]} {
    %mul3A = arith.constant 16 : i32
    %mul3A_0 = arith.muli %arg0, %mul3A : i32
    %add3A = arith.addi %mul3A_0, %arg1 : i32
    %add3A_1 = arith.constant 0 : i32
    %add3A_2 = arith.addi %add3A_1, %arg0 : i32
    %mul3A_3 = arith.constant 2064 : i32
    %mul3A_4 = arith.muli %add3A_2, %mul3A_3 : i32
    %mul3A_5 = arith.constant 128 : i32
    %mul3A_6 = arith.muli %arg1, %mul3A_5 : i32
    %add3A_7 = arith.addi %mul3A_4, %mul3A_6 : i32
    "tpu.region"() ({
      %run_scoped3A = tpu.sem_alloc : memref<!tpu.dma_semaphore, #tpu.memory_space<semaphore_mem>>
      %dma_start3A = tpu.memref_slice %arg2[%add3A_7] : memref<24768xf32, #tpu.memory_space<hbm>> -> memref<128xf32, #tpu.memory_space<hbm>>
      %dma_start3A_236 = tpu.memref_slice %arg2[%add3A_7] : memref<24768xf32, #tpu.memory_space<hbm>> -> memref<128xf32, #tpu.memory_space<hbm>>
      tpu.enqueue_dma source(%dma_start3A_236 : memref<128xf32, #tpu.memory_space<hbm>>) target(%arg4 : memref<128xf32, #tpu.memory_space<vmem>>) target_semaphore(%run_scoped3A : memref<!tpu.dma_semaphore, #tpu.memory_space<semaphore_mem>>)
      %dma_wait3A = tpu.memref_slice %arg2[%add3A_7] : memref<24768xf32, #tpu.memory_space<hbm>> -> memref<128xf32, #tpu.memory_space<hbm>>
      %dma_wait3A_237 = tpu.memref_slice %arg2[%add3A_7] : memref<24768xf32, #tpu.memory_space<hbm>> -> memref<128xf32, #tpu.memory_space<hbm>>
      tpu.wait_dma2 semaphore(%run_scoped3A : memref<!tpu.dma_semaphore, #tpu.memory_space<semaphore_mem>>) src(%dma_wait3A_237 : memref<128xf32, #tpu.memory_space<hbm>>) dst(%arg4 : memref<128xf32, #tpu.memory_space<vmem>>)
      tpu.yield
    }) : () -> ()
    %add3A_8 = arith.constant 2 : i32
    %add3A_9 = arith.addi %add3A_8, %arg0 : i32
    %mul3A_10 = arith.constant 2064 : i32
    %mul3A_11 = arith.muli %add3A_9, %mul3A_10 : i32
    %mul3A_12 = arith.constant 128 : i32
    %mul3A_13 = arith.muli %arg1, %mul3A_12 : i32
    %add3A_14 = arith.addi %mul3A_11, %mul3A_13 : i32
    "tpu.region"() ({
      %run_scoped3A = tpu.sem_alloc : memref<!tpu.dma_semaphore, #tpu.memory_space<semaphore_mem>>
      %dma_start3A = tpu.memref_slice %arg2[%add3A_14] : memref<24768xf32, #tpu.memory_space<hbm>> -> memref<128xf32, #tpu.memory_space<hbm>>
      %dma_start3A_236 = tpu.memref_slice %arg2[%add3A_14] : memref<24768xf32, #tpu.memory_space<hbm>> -> memref<128xf32, #tpu.memory_space<hbm>>
      tpu.enqueue_dma source(%dma_start3A_236 : memref<128xf32, #tpu.memory_space<hbm>>) target(%arg5 : memref<128xf32, #tpu.memory_space<vmem>>) target_semaphore(%run_scoped3A : memref<!tpu.dma_semaphore, #tpu.memory_space<semaphore_mem>>)
      %dma_wait3A = tpu.memref_slice %arg2[%add3A_14] : memref<24768xf32, #tpu.memory_space<hbm>> -> memref<128xf32, #tpu.memory_space<hbm>>
      %dma_wait3A_237 = tpu.memref_slice %arg2[%add3A_14] : memref<24768xf32, #tpu.memory_space<hbm>> -> memref<128xf32, #tpu.memory_space<hbm>>
      tpu.wait_dma2 semaphore(%run_scoped3A : memref<!tpu.dma_semaphore, #tpu.memory_space<semaphore_mem>>) src(%dma_wait3A_237 : memref<128xf32, #tpu.memory_space<hbm>>) dst(%arg5 : memref<128xf32, #tpu.memory_space<vmem>>)
      tpu.yield
    }) : () -> ()
    %add3A_15 = arith.constant 4 : i32
    %add3A_16 = arith.addi %add3A_15, %arg0 : i32
    %mul3A_17 = arith.constant 2064 : i32
    %mul3A_18 = arith.muli %add3A_16, %mul3A_17 : i32
    %mul3A_19 = arith.constant 128 : i32
    %mul3A_20 = arith.muli %arg1, %mul3A_19 : i32
    %add3A_21 = arith.addi %mul3A_18, %mul3A_20 : i32
    "tpu.region"() ({
      %run_scoped3A = tpu.sem_alloc : memref<!tpu.dma_semaphore, #tpu.memory_space<semaphore_mem>>
      %dma_start3A = tpu.memref_slice %arg2[%add3A_21] : memref<24768xf32, #tpu.memory_space<hbm>> -> memref<128xf32, #tpu.memory_space<hbm>>
      %dma_start3A_236 = tpu.memref_slice %arg2[%add3A_21] : memref<24768xf32, #tpu.memory_space<hbm>> -> memref<128xf32, #tpu.memory_space<hbm>>
      tpu.enqueue_dma source(%dma_start3A_236 : memref<128xf32, #tpu.memory_space<hbm>>) target(%arg6 : memref<128xf32, #tpu.memory_space<vmem>>) target_semaphore(%run_scoped3A : memref<!tpu.dma_semaphore, #tpu.memory_space<semaphore_mem>>)
      %dma_wait3A = tpu.memref_slice %arg2[%add3A_21] : memref<24768xf32, #tpu.memory_space<hbm>> -> memref<128xf32, #tpu.memory_space<hbm>>
      %dma_wait3A_237 = tpu.memref_slice %arg2[%add3A_21] : memref<24768xf32, #tpu.memory_space<hbm>> -> memref<128xf32, #tpu.memory_space<hbm>>
      tpu.wait_dma2 semaphore(%run_scoped3A : memref<!tpu.dma_semaphore, #tpu.memory_space<semaphore_mem>>) src(%dma_wait3A_237 : memref<128xf32, #tpu.memory_space<hbm>>) dst(%arg6 : memref<128xf32, #tpu.memory_space<vmem>>)
      tpu.yield
    }) : () -> ()
    %add3A_22 = arith.constant 6 : i32
    %add3A_23 = arith.addi %add3A_22, %arg0 : i32
    %mul3A_24 = arith.constant 2064 : i32
    %mul3A_25 = arith.muli %add3A_23, %mul3A_24 : i32
    "tpu.region"() ({
      %run_scoped3A = tpu.sem_alloc : memref<!tpu.dma_semaphore, #tpu.memory_space<semaphore_mem>>
      %dma_start3A = tpu.memref_slice %arg2[%mul3A_25] : memref<24768xf32, #tpu.memory_space<hbm>> -> memref<2064xf32, #tpu.memory_space<hbm>>
      %dma_start3A_236 = tpu.memref_slice %arg2[%mul3A_25] : memref<24768xf32, #tpu.memory_space<hbm>> -> memref<2064xf32, #tpu.memory_space<hbm>>
      tpu.enqueue_dma source(%dma_start3A_236 : memref<2064xf32, #tpu.memory_space<hbm>>) target(%arg7 : memref<2064xf32, #tpu.memory_space<vmem>>) target_semaphore(%run_scoped3A : memref<!tpu.dma_semaphore, #tpu.memory_space<semaphore_mem>>)
      %dma_wait3A = tpu.memref_slice %arg2[%mul3A_25] : memref<24768xf32, #tpu.memory_space<hbm>> -> memref<2064xf32, #tpu.memory_space<hbm>>
      %dma_wait3A_237 = tpu.memref_slice %arg2[%mul3A_25] : memref<24768xf32, #tpu.memory_space<hbm>> -> memref<2064xf32, #tpu.memory_space<hbm>>
      tpu.wait_dma2 semaphore(%run_scoped3A : memref<!tpu.dma_semaphore, #tpu.memory_space<semaphore_mem>>) src(%dma_wait3A_237 : memref<2064xf32, #tpu.memory_space<hbm>>) dst(%arg7 : memref<2064xf32, #tpu.memory_space<vmem>>)
      tpu.yield
    }) : () -> ()
    %add3A_26 = arith.constant 8 : i32
    %add3A_27 = arith.addi %add3A_26, %arg0 : i32
    %mul3A_28 = arith.constant 2064 : i32
    %mul3A_29 = arith.muli %add3A_27, %mul3A_28 : i32
    "tpu.region"() ({
      %run_scoped3A = tpu.sem_alloc : memref<!tpu.dma_semaphore, #tpu.memory_space<semaphore_mem>>
      %dma_start3A = tpu.memref_slice %arg2[%mul3A_29] : memref<24768xf32, #tpu.memory_space<hbm>> -> memref<2064xf32, #tpu.memory_space<hbm>>
      %dma_start3A_236 = tpu.memref_slice %arg2[%mul3A_29] : memref<24768xf32, #tpu.memory_space<hbm>> -> memref<2064xf32, #tpu.memory_space<hbm>>
      tpu.enqueue_dma source(%dma_start3A_236 : memref<2064xf32, #tpu.memory_space<hbm>>) target(%arg8 : memref<2064xf32, #tpu.memory_space<vmem>>) target_semaphore(%run_scoped3A : memref<!tpu.dma_semaphore, #tpu.memory_space<semaphore_mem>>)
      %dma_wait3A = tpu.memref_slice %arg2[%mul3A_29] : memref<24768xf32, #tpu.memory_space<hbm>> -> memref<2064xf32, #tpu.memory_space<hbm>>
      %dma_wait3A_237 = tpu.memref_slice %arg2[%mul3A_29] : memref<24768xf32, #tpu.memory_space<hbm>> -> memref<2064xf32, #tpu.memory_space<hbm>>
      tpu.wait_dma2 semaphore(%run_scoped3A : memref<!tpu.dma_semaphore, #tpu.memory_space<semaphore_mem>>) src(%dma_wait3A_237 : memref<2064xf32, #tpu.memory_space<hbm>>) dst(%arg8 : memref<2064xf32, #tpu.memory_space<vmem>>)
      tpu.yield
    }) : () -> ()
    %add3A_30 = arith.constant 10 : i32
    %add3A_31 = arith.addi %add3A_30, %arg0 : i32
    %mul3A_32 = arith.constant 2064 : i32
    %mul3A_33 = arith.muli %add3A_31, %mul3A_32 : i32
    "tpu.region"() ({
      %run_scoped3A = tpu.sem_alloc : memref<!tpu.dma_semaphore, #tpu.memory_space<semaphore_mem>>
      %dma_start3A = tpu.memref_slice %arg2[%mul3A_33] : memref<24768xf32, #tpu.memory_space<hbm>> -> memref<2064xf32, #tpu.memory_space<hbm>>
      %dma_start3A_236 = tpu.memref_slice %arg2[%mul3A_33] : memref<24768xf32, #tpu.memory_space<hbm>> -> memref<2064xf32, #tpu.memory_space<hbm>>
      tpu.enqueue_dma source(%dma_start3A_236 : memref<2064xf32, #tpu.memory_space<hbm>>) target(%arg9 : memref<2064xf32, #tpu.memory_space<vmem>>) target_semaphore(%run_scoped3A : memref<!tpu.dma_semaphore, #tpu.memory_space<semaphore_mem>>)
      %dma_wait3A = tpu.memref_slice %arg2[%mul3A_33] : memref<24768xf32, #tpu.memory_space<hbm>> -> memref<2064xf32, #tpu.memory_space<hbm>>
      %dma_wait3A_237 = tpu.memref_slice %arg2[%mul3A_33] : memref<24768xf32, #tpu.memory_space<hbm>> -> memref<2064xf32, #tpu.memory_space<hbm>>
      tpu.wait_dma2 semaphore(%run_scoped3A : memref<!tpu.dma_semaphore, #tpu.memory_space<semaphore_mem>>) src(%dma_wait3A_237 : memref<2064xf32, #tpu.memory_space<hbm>>) dst(%arg9 : memref<2064xf32, #tpu.memory_space<vmem>>)
      tpu.yield
    }) : () -> ()
    %broadcast_in_dim3A = arith.constant 3.400000e+38 : f32
    %broadcast_in_dim3A_34 = vector.broadcast %broadcast_in_dim3A : f32 to vector<16xf32>
    %scan3A = arith.constant 0 : i32
    %scan3A_35 = arith.constant 0 : i32
    %scan3A_36 = arith.constant 129 : i32
    %scan3A_37 = arith.addi %scan3A_35, %scan3A_36 : i32
    %scan3A_38 = arith.constant 1 : i32
    scf.for %scan3A_236 = %scan3A_35 to %scan3A_37 step %scan3A_38  : i32 {
      %mul3A_237 = arith.constant 16 : i32
      %mul3A_238 = arith.muli %scan3A_236, %mul3A_237 : i32
      %swap3A_239 = arith.index_cast %mul3A_238 : i32 to index
      %swap3A_240 = tpu.vector_load %arg10[%swap3A_239] {strides = array<i32>} : memref<2064xf32, #tpu.memory_space<vmem>>, vector<16xf32>,
      %swap3A_241 = vector.shape_cast %swap3A_240 : vector<16xf32> to vector<16xf32>
      %swap3A_242 = vector.shape_cast %broadcast_in_dim3A_34 : vector<16xf32> to vector<16xf32>
      tpu.vector_store %arg10[%swap3A_239], %swap3A_242 {strides = array<i32>} : memref<2064xf32, #tpu.memory_space<vmem>>, vector<16xf32>,
    }
    %scan3A_39 = arith.constant 129 : i32
    %get3A = arith.constant 0 : index
    %get3A_40 = tpu.vector_load %arg4[%get3A] {strides = array<i32>} : memref<128xf32, #tpu.memory_space<vmem>>, vector<16xf32>,
    %get3A_41 = vector.shape_cast %get3A_40 : vector<16xf32> to vector<16xf32>
    %get3A_42 = arith.constant 16 : index
    %get3A_43 = tpu.vector_load %arg4[%get3A_42] {strides = array<i32>} : memref<128xf32, #tpu.memory_space<vmem>>, vector<16xf32>,
    %get3A_44 = vector.shape_cast %get3A_43 : vector<16xf32> to vector<16xf32>
    %get3A_45 = arith.constant 32 : index
    %get3A_46 = tpu.vector_load %arg4[%get3A_45] {strides = array<i32>} : memref<128xf32, #tpu.memory_space<vmem>>, vector<16xf32>,
    %get3A_47 = vector.shape_cast %get3A_46 : vector<16xf32> to vector<16xf32>
    %get3A_48 = arith.constant 48 : index
    %get3A_49 = tpu.vector_load %arg4[%get3A_48] {strides = array<i32>} : memref<128xf32, #tpu.memory_space<vmem>>, vector<16xf32>,
    %get3A_50 = vector.shape_cast %get3A_49 : vector<16xf32> to vector<16xf32>
    %get3A_51 = arith.constant 64 : index
    %get3A_52 = tpu.vector_load %arg4[%get3A_51] {strides = array<i32>} : memref<128xf32, #tpu.memory_space<vmem>>, vector<16xf32>,
    %get3A_53 = vector.shape_cast %get3A_52 : vector<16xf32> to vector<16xf32>
    %get3A_54 = arith.constant 80 : index
    %get3A_55 = tpu.vector_load %arg4[%get3A_54] {strides = array<i32>} : memref<128xf32, #tpu.memory_space<vmem>>, vector<16xf32>,
    %get3A_56 = vector.shape_cast %get3A_55 : vector<16xf32> to vector<16xf32>
    %get3A_57 = arith.constant 96 : index
    %get3A_58 = tpu.vector_load %arg4[%get3A_57] {strides = array<i32>} : memref<128xf32, #tpu.memory_space<vmem>>, vector<16xf32>,
    %get3A_59 = vector.shape_cast %get3A_58 : vector<16xf32> to vector<16xf32>
    %get3A_60 = arith.constant 112 : index
    %get3A_61 = tpu.vector_load %arg4[%get3A_60] {strides = array<i32>} : memref<128xf32, #tpu.memory_space<vmem>>, vector<16xf32>,
    %get3A_62 = vector.shape_cast %get3A_61 : vector<16xf32> to vector<16xf32>
    %get3A_63 = arith.constant 0 : index
    %get3A_64 = tpu.vector_load %arg5[%get3A_63] {strides = array<i32>} : memref<128xf32, #tpu.memory_space<vmem>>, vector<16xf32>,
    %get3A_65 = vector.shape_cast %get3A_64 : vector<16xf32> to vector<16xf32>
    %get3A_66 = arith.constant 16 : index
    %get3A_67 = tpu.vector_load %arg5[%get3A_66] {strides = array<i32>} : memref<128xf32, #tpu.memory_space<vmem>>, vector<16xf32>,
    %get3A_68 = vector.shape_cast %get3A_67 : vector<16xf32> to vector<16xf32>
    %get3A_69 = arith.constant 32 : index
    %get3A_70 = tpu.vector_load %arg5[%get3A_69] {strides = array<i32>} : memref<128xf32, #tpu.memory_space<vmem>>, vector<16xf32>,
    %get3A_71 = vector.shape_cast %get3A_70 : vector<16xf32> to vector<16xf32>
    %get3A_72 = arith.constant 48 : index
    %get3A_73 = tpu.vector_load %arg5[%get3A_72] {strides = array<i32>} : memref<128xf32, #tpu.memory_space<vmem>>, vector<16xf32>,
    %get3A_74 = vector.shape_cast %get3A_73 : vector<16xf32> to vector<16xf32>
    %get3A_75 = arith.constant 64 : index
    %get3A_76 = tpu.vector_load %arg5[%get3A_75] {strides = array<i32>} : memref<128xf32, #tpu.memory_space<vmem>>, vector<16xf32>,
    %get3A_77 = vector.shape_cast %get3A_76 : vector<16xf32> to vector<16xf32>
    %get3A_78 = arith.constant 80 : index
    %get3A_79 = tpu.vector_load %arg5[%get3A_78] {strides = array<i32>} : memref<128xf32, #tpu.memory_space<vmem>>, vector<16xf32>,
    %get3A_80 = vector.shape_cast %get3A_79 : vector<16xf32> to vector<16xf32>
    %get3A_81 = arith.constant 96 : index
    %get3A_82 = tpu.vector_load %arg5[%get3A_81] {strides = array<i32>} : memref<128xf32, #tpu.memory_space<vmem>>, vector<16xf32>,
    %get3A_83 = vector.shape_cast %get3A_82 : vector<16xf32> to vector<16xf32>
    %get3A_84 = arith.constant 112 : index
    %get3A_85 = tpu.vector_load %arg5[%get3A_84] {strides = array<i32>} : memref<128xf32, #tpu.memory_space<vmem>>, vector<16xf32>,
    %get3A_86 = vector.shape_cast %get3A_85 : vector<16xf32> to vector<16xf32>
    %get3A_87 = arith.constant 0 : index
    %get3A_88 = tpu.vector_load %arg6[%get3A_87] {strides = array<i32>} : memref<128xf32, #tpu.memory_space<vmem>>, vector<16xf32>,
    %get3A_89 = vector.shape_cast %get3A_88 : vector<16xf32> to vector<16xf32>
    %get3A_90 = arith.constant 16 : index
    %get3A_91 = tpu.vector_load %arg6[%get3A_90] {strides = array<i32>} : memref<128xf32, #tpu.memory_space<vmem>>, vector<16xf32>,
    %get3A_92 = vector.shape_cast %get3A_91 : vector<16xf32> to vector<16xf32>
    %get3A_93 = arith.constant 32 : index
    %get3A_94 = tpu.vector_load %arg6[%get3A_93] {strides = array<i32>} : memref<128xf32, #tpu.memory_space<vmem>>, vector<16xf32>,
    %get3A_95 = vector.shape_cast %get3A_94 : vector<16xf32> to vector<16xf32>
    %get3A_96 = arith.constant 48 : index
    %get3A_97 = tpu.vector_load %arg6[%get3A_96] {strides = array<i32>} : memref<128xf32, #tpu.memory_space<vmem>>, vector<16xf32>,
    %get3A_98 = vector.shape_cast %get3A_97 : vector<16xf32> to vector<16xf32>
    %get3A_99 = arith.constant 64 : index
    %get3A_100 = tpu.vector_load %arg6[%get3A_99] {strides = array<i32>} : memref<128xf32, #tpu.memory_space<vmem>>, vector<16xf32>,
    %get3A_101 = vector.shape_cast %get3A_100 : vector<16xf32> to vector<16xf32>
    %get3A_102 = arith.constant 80 : index
    %get3A_103 = tpu.vector_load %arg6[%get3A_102] {strides = array<i32>} : memref<128xf32, #tpu.memory_space<vmem>>, vector<16xf32>,
    %get3A_104 = vector.shape_cast %get3A_103 : vector<16xf32> to vector<16xf32>
    %get3A_105 = arith.constant 96 : index
    %get3A_106 = tpu.vector_load %arg6[%get3A_105] {strides = array<i32>} : memref<128xf32, #tpu.memory_space<vmem>>, vector<16xf32>,
    %get3A_107 = vector.shape_cast %get3A_106 : vector<16xf32> to vector<16xf32>
    %get3A_108 = arith.constant 112 : index
    %get3A_109 = tpu.vector_load %arg6[%get3A_108] {strides = array<i32>} : memref<128xf32, #tpu.memory_space<vmem>>, vector<16xf32>,
    %get3A_110 = vector.shape_cast %get3A_109 : vector<16xf32> to vector<16xf32>
    %broadcast_in_dim3A_111 = arith.constant 3.400000e+38 : f32
    %broadcast_in_dim3A_112 = vector.broadcast %broadcast_in_dim3A_111 : f32 to vector<16xf32>
    %broadcast_in_dim3A_113 = arith.constant 3.400000e+38 : f32
    %broadcast_in_dim3A_114 = vector.broadcast %broadcast_in_dim3A_113 : f32 to vector<16xf32>
    %broadcast_in_dim3A_115 = arith.constant 3.400000e+38 : f32
    %broadcast_in_dim3A_116 = vector.broadcast %broadcast_in_dim3A_115 : f32 to vector<16xf32>
    %broadcast_in_dim3A_117 = arith.constant 3.400000e+38 : f32
    %broadcast_in_dim3A_118 = vector.broadcast %broadcast_in_dim3A_117 : f32 to vector<16xf32>
    %broadcast_in_dim3A_119 = arith.constant 3.400000e+38 : f32
    %broadcast_in_dim3A_120 = vector.broadcast %broadcast_in_dim3A_119 : f32 to vector<16xf32>
    %broadcast_in_dim3A_121 = arith.constant 3.400000e+38 : f32
    %broadcast_in_dim3A_122 = vector.broadcast %broadcast_in_dim3A_121 : f32 to vector<16xf32>
    %broadcast_in_dim3A_123 = arith.constant 3.400000e+38 : f32
    %broadcast_in_dim3A_124 = vector.broadcast %broadcast_in_dim3A_123 : f32 to vector<16xf32>
    %broadcast_in_dim3A_125 = arith.constant 3.400000e+38 : f32
    %broadcast_in_dim3A_126 = vector.broadcast %broadcast_in_dim3A_125 : f32 to vector<16xf32>
    %scan3A_127 = arith.constant 0 : i32
    %scan3A_128 = arith.constant 2048 : i32
    %scan3A_129 = arith.addi %scan3A_127, %scan3A_128 : i32
    %scan3A_130 = arith.constant 1 : i32
    %scan3A_131:8 = scf.for %scan3A_236 = %scan3A_127 to %scan3A_129 step %scan3A_130 iter_args(%scan3A_237 = %broadcast_in_dim3A_112, %scan3A_238 = %broadcast_in_dim3A_114, %scan3A_239 = %broadcast_in_dim3A_116, %scan3A_240 = %broadcast_in_dim3A_118, %scan3A_241 = %broadcast_in_dim3A_120, %scan3A_242 = %broadcast_in_dim3A_122, %scan3A_243 = %broadcast_in_dim3A_124, %scan3A_244 = %broadcast_in_dim3A_126) -> (vector<16xf32>, vector<16xf32>, vector<16xf32>, vector<16xf32>, vector<16xf32>, vector<16xf32>, vector<16xf32>, vector<16xf32>)  : i32 {
      %get3A_245 = arith.index_cast %scan3A_236 : i32 to index
      %get3A_246 = tpu.vector_load %arg7[%get3A_245] {strides = array<i32>} : memref<2064xf32, #tpu.memory_space<vmem>>, vector<16xf32>,
      %get3A_247 = vector.shape_cast %get3A_246 : vector<16xf32> to vector<16xf32>
      %get3A_248 = arith.index_cast %scan3A_236 : i32 to index
      %get3A_249 = tpu.vector_load %arg8[%get3A_248] {strides = array<i32>} : memref<2064xf32, #tpu.memory_space<vmem>>, vector<16xf32>,
      %get3A_250 = vector.shape_cast %get3A_249 : vector<16xf32> to vector<16xf32>
      %get3A_251 = arith.index_cast %scan3A_236 : i32 to index
      %get3A_252 = tpu.vector_load %arg9[%get3A_251] {strides = array<i32>} : memref<2064xf32, #tpu.memory_space<vmem>>, vector<16xf32>,
      %get3A_253 = vector.shape_cast %get3A_252 : vector<16xf32> to vector<16xf32>
      %sub3A = arith.subf %get3A_41, %get3A_247 : vector<16xf32>
      %sub3A_254 = arith.subf %get3A_65, %get3A_250 : vector<16xf32>
      %sub3A_255 = arith.subf %get3A_89, %get3A_253 : vector<16xf32>
      %mul3A_256 = arith.mulf %sub3A, %sub3A : vector<16xf32>
      %mul3A_257 = arith.mulf %sub3A_254, %sub3A_254 : vector<16xf32>
      %add3A_258 = arith.addf %mul3A_256, %mul3A_257 : vector<16xf32>
      %mul3A_259 = arith.mulf %sub3A_255, %sub3A_255 : vector<16xf32>
      %add3A_260 = arith.addf %add3A_258, %mul3A_259 : vector<16xf32>
      %min3A_261 = arith.minimumf %scan3A_237, %add3A_260 : vector<16xf32>
      %sub3A_262 = arith.subf %get3A_44, %get3A_247 : vector<16xf32>
      %sub3A_263 = arith.subf %get3A_68, %get3A_250 : vector<16xf32>
      %sub3A_264 = arith.subf %get3A_92, %get3A_253 : vector<16xf32>
      %mul3A_265 = arith.mulf %sub3A_262, %sub3A_262 : vector<16xf32>
      %mul3A_266 = arith.mulf %sub3A_263, %sub3A_263 : vector<16xf32>
      %add3A_267 = arith.addf %mul3A_265, %mul3A_266 : vector<16xf32>
      %mul3A_268 = arith.mulf %sub3A_264, %sub3A_264 : vector<16xf32>
      %add3A_269 = arith.addf %add3A_267, %mul3A_268 : vector<16xf32>
      %min3A_270 = arith.minimumf %scan3A_238, %add3A_269 : vector<16xf32>
      %sub3A_271 = arith.subf %get3A_47, %get3A_247 : vector<16xf32>
      %sub3A_272 = arith.subf %get3A_71, %get3A_250 : vector<16xf32>
      %sub3A_273 = arith.subf %get3A_95, %get3A_253 : vector<16xf32>
      %mul3A_274 = arith.mulf %sub3A_271, %sub3A_271 : vector<16xf32>
      %mul3A_275 = arith.mulf %sub3A_272, %sub3A_272 : vector<16xf32>
      %add3A_276 = arith.addf %mul3A_274, %mul3A_275 : vector<16xf32>
      %mul3A_277 = arith.mulf %sub3A_273, %sub3A_273 : vector<16xf32>
      %add3A_278 = arith.addf %add3A_276, %mul3A_277 : vector<16xf32>
      %min3A_279 = arith.minimumf %scan3A_239, %add3A_278 : vector<16xf32>
      %sub3A_280 = arith.subf %get3A_50, %get3A_247 : vector<16xf32>
      %sub3A_281 = arith.subf %get3A_74, %get3A_250 : vector<16xf32>
      %sub3A_282 = arith.subf %get3A_98, %get3A_253 : vector<16xf32>
      %mul3A_283 = arith.mulf %sub3A_280, %sub3A_280 : vector<16xf32>
      %mul3A_284 = arith.mulf %sub3A_281, %sub3A_281 : vector<16xf32>
      %add3A_285 = arith.addf %mul3A_283, %mul3A_284 : vector<16xf32>
      %mul3A_286 = arith.mulf %sub3A_282, %sub3A_282 : vector<16xf32>
      %add3A_287 = arith.addf %add3A_285, %mul3A_286 : vector<16xf32>
      %min3A_288 = arith.minimumf %scan3A_240, %add3A_287 : vector<16xf32>
      %sub3A_289 = arith.subf %get3A_53, %get3A_247 : vector<16xf32>
      %sub3A_290 = arith.subf %get3A_77, %get3A_250 : vector<16xf32>
      %sub3A_291 = arith.subf %get3A_101, %get3A_253 : vector<16xf32>
      %mul3A_292 = arith.mulf %sub3A_289, %sub3A_289 : vector<16xf32>
      %mul3A_293 = arith.mulf %sub3A_290, %sub3A_290 : vector<16xf32>
      %add3A_294 = arith.addf %mul3A_292, %mul3A_293 : vector<16xf32>
      %mul3A_295 = arith.mulf %sub3A_291, %sub3A_291 : vector<16xf32>
      %add3A_296 = arith.addf %add3A_294, %mul3A_295 : vector<16xf32>
      %min3A_297 = arith.minimumf %scan3A_241, %add3A_296 : vector<16xf32>
      %sub3A_298 = arith.subf %get3A_56, %get3A_247 : vector<16xf32>
      %sub3A_299 = arith.subf %get3A_80, %get3A_250 : vector<16xf32>
      %sub3A_300 = arith.subf %get3A_104, %get3A_253 : vector<16xf32>
      %mul3A_301 = arith.mulf %sub3A_298, %sub3A_298 : vector<16xf32>
      %mul3A_302 = arith.mulf %sub3A_299, %sub3A_299 : vector<16xf32>
      %add3A_303 = arith.addf %mul3A_301, %mul3A_302 : vector<16xf32>
      %mul3A_304 = arith.mulf %sub3A_300, %sub3A_300 : vector<16xf32>
      %add3A_305 = arith.addf %add3A_303, %mul3A_304 : vector<16xf32>
      %min3A_306 = arith.minimumf %scan3A_242, %add3A_305 : vector<16xf32>
      %sub3A_307 = arith.subf %get3A_59, %get3A_247 : vector<16xf32>
      %sub3A_308 = arith.subf %get3A_83, %get3A_250 : vector<16xf32>
      %sub3A_309 = arith.subf %get3A_107, %get3A_253 : vector<16xf32>
      %mul3A_310 = arith.mulf %sub3A_307, %sub3A_307 : vector<16xf32>
      %mul3A_311 = arith.mulf %sub3A_308, %sub3A_308 : vector<16xf32>
      %add3A_312 = arith.addf %mul3A_310, %mul3A_311 : vector<16xf32>
      %mul3A_313 = arith.mulf %sub3A_309, %sub3A_309 : vector<16xf32>
      %add3A_314 = arith.addf %add3A_312, %mul3A_313 : vector<16xf32>
      %min3A_315 = arith.minimumf %scan3A_243, %add3A_314 : vector<16xf32>
      %sub3A_316 = arith.subf %get3A_62, %get3A_247 : vector<16xf32>
      %sub3A_317 = arith.subf %get3A_86, %get3A_250 : vector<16xf32>
      %sub3A_318 = arith.subf %get3A_110, %get3A_253 : vector<16xf32>
      %mul3A_319 = arith.mulf %sub3A_316, %sub3A_316 : vector<16xf32>
      %mul3A_320 = arith.mulf %sub3A_317, %sub3A_317 : vector<16xf32>
      %add3A_321 = arith.addf %mul3A_319, %mul3A_320 : vector<16xf32>
      %mul3A_322 = arith.mulf %sub3A_318, %sub3A_318 : vector<16xf32>
      %add3A_323 = arith.addf %add3A_321, %mul3A_322 : vector<16xf32>
      %min3A_324 = arith.minimumf %scan3A_244, %add3A_323 : vector<16xf32>
      %min3A_325 = arith.minimumf %add3A_260, %add3A_269 : vector<16xf32>
      %min3A_326 = arith.minimumf %add3A_278, %add3A_287 : vector<16xf32>
      %min3A_327 = arith.minimumf %add3A_296, %add3A_305 : vector<16xf32>
      %min3A_328 = arith.minimumf %add3A_314, %add3A_323 : vector<16xf32>
      %min3A_329 = arith.minimumf %min3A_325, %min3A_326 : vector<16xf32>
      %min3A_330 = arith.minimumf %min3A_327, %min3A_328 : vector<16xf32>
      %min3A_331 = arith.minimumf %min3A_329, %min3A_330 : vector<16xf32>
      %get3A_332 = arith.index_cast %scan3A_236 : i32 to index
      %get3A_333 = tpu.vector_load %arg10[%get3A_332] {strides = array<i32>} : memref<2064xf32, #tpu.memory_space<vmem>>, vector<16xf32>,
      %get3A_334 = vector.shape_cast %get3A_333 : vector<16xf32> to vector<16xf32>
      %min3A_335 = arith.minimumf %get3A_334, %min3A_331 : vector<16xf32>
      %swap3A_336 = arith.index_cast %scan3A_236 : i32 to index
      %swap3A_337 = tpu.vector_load %arg10[%swap3A_336] {strides = array<i32>} : memref<2064xf32, #tpu.memory_space<vmem>>, vector<16xf32>,
      %swap3A_338 = vector.shape_cast %swap3A_337 : vector<16xf32> to vector<16xf32>
      %swap3A_339 = vector.shape_cast %min3A_335 : vector<16xf32> to vector<16xf32>
      tpu.vector_store %arg10[%swap3A_336], %swap3A_339 {strides = array<i32>} : memref<2064xf32, #tpu.memory_space<vmem>>, vector<16xf32>,
      scf.yield %min3A_261, %min3A_270, %min3A_279, %min3A_288, %min3A_297, %min3A_306, %min3A_315, %min3A_324 : vector<16xf32>, vector<16xf32>, vector<16xf32>, vector<16xf32>, vector<16xf32>, vector<16xf32>, vector<16xf32>, vector<16xf32>
    }
    %scan3A_132 = arith.constant 2048 : i32
    %broadcast_in_dim3A_133 = arith.constant 0.000000e+00 : f32
    %broadcast_in_dim3A_134 = vector.broadcast %broadcast_in_dim3A_133 : f32 to vector<16xf32>
    %add3A_135 = arith.addf %broadcast_in_dim3A_134, %scan3A_131#0 : vector<16xf32>
    %add3A_136 = arith.addf %add3A_135, %scan3A_131#1 : vector<16xf32>
    %add3A_137 = arith.addf %add3A_136, %scan3A_131#2 : vector<16xf32>
    %add3A_138 = arith.addf %add3A_137, %scan3A_131#3 : vector<16xf32>
    %add3A_139 = arith.addf %add3A_138, %scan3A_131#4 : vector<16xf32>
    %add3A_140 = arith.addf %add3A_139, %scan3A_131#5 : vector<16xf32>
    %add3A_141 = arith.addf %add3A_140, %scan3A_131#6 : vector<16xf32>
    %add3A_142 = arith.addf %add3A_141, %scan3A_131#7 : vector<16xf32>
    %get3A_143 = arith.constant 0 : index
    %get3A_144 = tpu.vector_load %arg10[%get3A_143] {strides = array<i32>} : memref<2064xf32, #tpu.memory_space<vmem>>, vector<16xf32>,
    %get3A_145 = vector.shape_cast %get3A_144 : vector<16xf32> to vector<16xf32>
    %get3A_146 = arith.constant 2048 : index
    %get3A_147 = tpu.vector_load %arg10[%get3A_146] {strides = array<i32>} : memref<2064xf32, #tpu.memory_space<vmem>>, vector<16xf32>,
    %get3A_148 = vector.shape_cast %get3A_147 : vector<16xf32> to vector<16xf32>
    %min3A = arith.minimumf %get3A_145, %get3A_148 : vector<16xf32>
    %swap3A = arith.constant 0 : index
    %swap3A_149 = tpu.vector_load %arg10[%swap3A] {strides = array<i32>} : memref<2064xf32, #tpu.memory_space<vmem>>, vector<16xf32>,
    %swap3A_150 = vector.shape_cast %swap3A_149 : vector<16xf32> to vector<16xf32>
    %swap3A_151 = vector.shape_cast %min3A : vector<16xf32> to vector<16xf32>
    tpu.vector_store %arg10[%swap3A], %swap3A_151 {strides = array<i32>} : memref<2064xf32, #tpu.memory_space<vmem>>, vector<16xf32>,
    %mul3A_152 = arith.constant 2048 : i32
    %mul3A_153 = arith.muli %arg1, %mul3A_152 : i32
    "tpu.region"() ({
      %run_scoped3A = tpu.sem_alloc : memref<!tpu.dma_semaphore, #tpu.memory_space<semaphore_mem>>
      %dma_start3A = arith.constant 0 : i32
      %dma_start3A_236 = tpu.memref_slice %arg10[%dma_start3A] : memref<2064xf32, #tpu.memory_space<vmem>> -> memref<2048xf32, #tpu.memory_space<vmem>>
      %dma_start3A_237 = tpu.memref_slice %arg13[%mul3A_153] : memref<32768xf32, #tpu.memory_space<vmem_shared>> -> memref<2048xf32, #tpu.memory_space<vmem_shared>>
      %dma_start3A_238 = tpu.memref_slice %arg13[%mul3A_153] : memref<32768xf32, #tpu.memory_space<vmem_shared>> -> memref<2048xf32, #tpu.memory_space<vmem_shared>>
      %dma_start3A_239 = arith.constant 0 : i32
      %dma_start3A_240 = tpu.memref_slice %arg10[%dma_start3A_239] : memref<2064xf32, #tpu.memory_space<vmem>> -> memref<2048xf32, #tpu.memory_space<vmem>>
      tpu.enqueue_dma source(%dma_start3A_240 : memref<2048xf32, #tpu.memory_space<vmem>>) target(%dma_start3A_238 : memref<2048xf32, #tpu.memory_space<vmem_shared>>) target_semaphore(%run_scoped3A : memref<!tpu.dma_semaphore, #tpu.memory_space<semaphore_mem>>)
      %dma_wait3A = arith.constant 0 : i32
      %dma_wait3A_241 = tpu.memref_slice %arg10[%dma_wait3A] : memref<2064xf32, #tpu.memory_space<vmem>> -> memref<2048xf32, #tpu.memory_space<vmem>>
      %dma_wait3A_242 = tpu.memref_slice %arg13[%mul3A_153] : memref<32768xf32, #tpu.memory_space<vmem_shared>> -> memref<2048xf32, #tpu.memory_space<vmem_shared>>
      %dma_wait3A_243 = tpu.memref_slice %arg13[%mul3A_153] : memref<32768xf32, #tpu.memory_space<vmem_shared>> -> memref<2048xf32, #tpu.memory_space<vmem_shared>>
      %dma_wait3A_244 = arith.constant 0 : i32
      %dma_wait3A_245 = tpu.memref_slice %arg10[%dma_wait3A_244] : memref<2064xf32, #tpu.memory_space<vmem>> -> memref<2048xf32, #tpu.memory_space<vmem>>
      tpu.wait_dma2 semaphore(%run_scoped3A : memref<!tpu.dma_semaphore, #tpu.memory_space<semaphore_mem>>) src(%dma_wait3A_245 : memref<2048xf32, #tpu.memory_space<vmem>>) dst(%dma_wait3A_243 : memref<2048xf32, #tpu.memory_space<vmem_shared>>)
      tpu.yield
    }) : () -> ()
    %barrier3A = arith.constant 0 : index
    tpu.barrier barrier_id(%barrier3A)
    %mul3A_154 = arith.constant 128 : i32
    %mul3A_155 = arith.muli %arg1, %mul3A_154 : i32
    %add3A_156 = arith.constant 0 : i32
    %add3A_157 = arith.addi %add3A_156, %mul3A_155 : i32
    "tpu.region"() ({
      %run_scoped3A = tpu.sem_alloc : memref<!tpu.dma_semaphore, #tpu.memory_space<semaphore_mem>>
      %dma_start3A = arith.constant 0 : i32
      %dma_start3A_236 = tpu.memref_slice %arg11[%dma_start3A] : memref<2048xf32, #tpu.memory_space<vmem>> -> memref<128xf32, #tpu.memory_space<vmem>>
      %dma_start3A_237 = tpu.memref_slice %arg13[%add3A_157] : memref<32768xf32, #tpu.memory_space<vmem_shared>> -> memref<128xf32, #tpu.memory_space<vmem_shared>>
      %dma_start3A_238 = arith.constant 0 : i32
      %dma_start3A_239 = tpu.memref_slice %arg11[%dma_start3A_238] : memref<2048xf32, #tpu.memory_space<vmem>> -> memref<128xf32, #tpu.memory_space<vmem>>
      %dma_start3A_240 = tpu.memref_slice %arg13[%add3A_157] : memref<32768xf32, #tpu.memory_space<vmem_shared>> -> memref<128xf32, #tpu.memory_space<vmem_shared>>
      tpu.enqueue_dma source(%dma_start3A_240 : memref<128xf32, #tpu.memory_space<vmem_shared>>) target(%dma_start3A_239 : memref<128xf32, #tpu.memory_space<vmem>>) target_semaphore(%run_scoped3A : memref<!tpu.dma_semaphore, #tpu.memory_space<semaphore_mem>>)
      %dma_wait3A = arith.constant 0 : i32
      %dma_wait3A_241 = tpu.memref_slice %arg11[%dma_wait3A] : memref<2048xf32, #tpu.memory_space<vmem>> -> memref<128xf32, #tpu.memory_space<vmem>>
      %dma_wait3A_242 = tpu.memref_slice %arg13[%add3A_157] : memref<32768xf32, #tpu.memory_space<vmem_shared>> -> memref<128xf32, #tpu.memory_space<vmem_shared>>
      %dma_wait3A_243 = arith.constant 0 : i32
      %dma_wait3A_244 = tpu.memref_slice %arg11[%dma_wait3A_243] : memref<2048xf32, #tpu.memory_space<vmem>> -> memref<128xf32, #tpu.memory_space<vmem>>
      %dma_wait3A_245 = tpu.memref_slice %arg13[%add3A_157] : memref<32768xf32, #tpu.memory_space<vmem_shared>> -> memref<128xf32, #tpu.memory_space<vmem_shared>>
      tpu.wait_dma2 semaphore(%run_scoped3A : memref<!tpu.dma_semaphore, #tpu.memory_space<semaphore_mem>>) src(%dma_wait3A_245 : memref<128xf32, #tpu.memory_space<vmem_shared>>) dst(%dma_wait3A_244 : memref<128xf32, #tpu.memory_space<vmem>>)
      tpu.yield
    }) : () -> ()
    %mul3A_158 = arith.constant 128 : i32
    %mul3A_159 = arith.muli %arg1, %mul3A_158 : i32
    %add3A_160 = arith.constant 2048 : i32
    %add3A_161 = arith.addi %add3A_160, %mul3A_159 : i32
    "tpu.region"() ({
      %run_scoped3A = tpu.sem_alloc : memref<!tpu.dma_semaphore, #tpu.memory_space<semaphore_mem>>
      %dma_start3A = arith.constant 128 : i32
      %dma_start3A_236 = tpu.memref_slice %arg11[%dma_start3A] : memref<2048xf32, #tpu.memory_space<vmem>> -> memref<128xf32, #tpu.memory_space<vmem>>
      %dma_start3A_237 = tpu.memref_slice %arg13[%add3A_161] : memref<32768xf32, #tpu.memory_space<vmem_shared>> -> memref<128xf32, #tpu.memory_space<vmem_shared>>
      %dma_start3A_238 = arith.constant 128 : i32
      %dma_start3A_239 = tpu.memref_slice %arg11[%dma_start3A_238] : memref<2048xf32, #tpu.memory_space<vmem>> -> memref<128xf32, #tpu.memory_space<vmem>>
      %dma_start3A_240 = tpu.memref_slice %arg13[%add3A_161] : memref<32768xf32, #tpu.memory_space<vmem_shared>> -> memref<128xf32, #tpu.memory_space<vmem_shared>>
      tpu.enqueue_dma source(%dma_start3A_240 : memref<128xf32, #tpu.memory_space<vmem_shared>>) target(%dma_start3A_239 : memref<128xf32, #tpu.memory_space<vmem>>) target_semaphore(%run_scoped3A : memref<!tpu.dma_semaphore, #tpu.memory_space<semaphore_mem>>)
      %dma_wait3A = arith.constant 128 : i32
      %dma_wait3A_241 = tpu.memref_slice %arg11[%dma_wait3A] : memref<2048xf32, #tpu.memory_space<vmem>> -> memref<128xf32, #tpu.memory_space<vmem>>
      %dma_wait3A_242 = tpu.memref_slice %arg13[%add3A_161] : memref<32768xf32, #tpu.memory_space<vmem_shared>> -> memref<128xf32, #tpu.memory_space<vmem_shared>>
      %dma_wait3A_243 = arith.constant 128 : i32
      %dma_wait3A_244 = tpu.memref_slice %arg11[%dma_wait3A_243] : memref<2048xf32, #tpu.memory_space<vmem>> -> memref<128xf32, #tpu.memory_space<vmem>>
      %dma_wait3A_245 = tpu.memref_slice %arg13[%add3A_161] : memref<32768xf32, #tpu.memory_space<vmem_shared>> -> memref<128xf32, #tpu.memory_space<vmem_shared>>
      tpu.wait_dma2 semaphore(%run_scoped3A : memref<!tpu.dma_semaphore, #tpu.memory_space<semaphore_mem>>) src(%dma_wait3A_245 : memref<128xf32, #tpu.memory_space<vmem_shared>>) dst(%dma_wait3A_244 : memref<128xf32, #tpu.memory_space<vmem>>)
      tpu.yield
    }) : () -> ()
    %mul3A_162 = arith.constant 128 : i32
    %mul3A_163 = arith.muli %arg1, %mul3A_162 : i32
    %add3A_164 = arith.constant 4096 : i32
    %add3A_165 = arith.addi %add3A_164, %mul3A_163 : i32
    "tpu.region"() ({
      %run_scoped3A = tpu.sem_alloc : memref<!tpu.dma_semaphore, #tpu.memory_space<semaphore_mem>>
      %dma_start3A = arith.constant 256 : i32
      %dma_start3A_236 = tpu.memref_slice %arg11[%dma_start3A] : memref<2048xf32, #tpu.memory_space<vmem>> -> memref<128xf32, #tpu.memory_space<vmem>>
      %dma_start3A_237 = tpu.memref_slice %arg13[%add3A_165] : memref<32768xf32, #tpu.memory_space<vmem_shared>> -> memref<128xf32, #tpu.memory_space<vmem_shared>>
      %dma_start3A_238 = arith.constant 256 : i32
      %dma_start3A_239 = tpu.memref_slice %arg11[%dma_start3A_238] : memref<2048xf32, #tpu.memory_space<vmem>> -> memref<128xf32, #tpu.memory_space<vmem>>
      %dma_start3A_240 = tpu.memref_slice %arg13[%add3A_165] : memref<32768xf32, #tpu.memory_space<vmem_shared>> -> memref<128xf32, #tpu.memory_space<vmem_shared>>
      tpu.enqueue_dma source(%dma_start3A_240 : memref<128xf32, #tpu.memory_space<vmem_shared>>) target(%dma_start3A_239 : memref<128xf32, #tpu.memory_space<vmem>>) target_semaphore(%run_scoped3A : memref<!tpu.dma_semaphore, #tpu.memory_space<semaphore_mem>>)
      %dma_wait3A = arith.constant 256 : i32
      %dma_wait3A_241 = tpu.memref_slice %arg11[%dma_wait3A] : memref<2048xf32, #tpu.memory_space<vmem>> -> memref<128xf32, #tpu.memory_space<vmem>>
      %dma_wait3A_242 = tpu.memref_slice %arg13[%add3A_165] : memref<32768xf32, #tpu.memory_space<vmem_shared>> -> memref<128xf32, #tpu.memory_space<vmem_shared>>
      %dma_wait3A_243 = arith.constant 256 : i32
      %dma_wait3A_244 = tpu.memref_slice %arg11[%dma_wait3A_243] : memref<2048xf32, #tpu.memory_space<vmem>> -> memref<128xf32, #tpu.memory_space<vmem>>
      %dma_wait3A_245 = tpu.memref_slice %arg13[%add3A_165] : memref<32768xf32, #tpu.memory_space<vmem_shared>> -> memref<128xf32, #tpu.memory_space<vmem_shared>>
      tpu.wait_dma2 semaphore(%run_scoped3A : memref<!tpu.dma_semaphore, #tpu.memory_space<semaphore_mem>>) src(%dma_wait3A_245 : memref<128xf32, #tpu.memory_space<vmem_shared>>) dst(%dma_wait3A_244 : memref<128xf32, #tpu.memory_space<vmem>>)
      tpu.yield
    }) : () -> ()
    %mul3A_166 = arith.constant 128 : i32
    %mul3A_167 = arith.muli %arg1, %mul3A_166 : i32
    %add3A_168 = arith.constant 6144 : i32
    %add3A_169 = arith.addi %add3A_168, %mul3A_167 : i32
    "tpu.region"() ({
      %run_scoped3A = tpu.sem_alloc : memref<!tpu.dma_semaphore, #tpu.memory_space<semaphore_mem>>
      %dma_start3A = arith.constant 384 : i32
      %dma_start3A_236 = tpu.memref_slice %arg11[%dma_start3A] : memref<2048xf32, #tpu.memory_space<vmem>> -> memref<128xf32, #tpu.memory_space<vmem>>
      %dma_start3A_237 = tpu.memref_slice %arg13[%add3A_169] : memref<32768xf32, #tpu.memory_space<vmem_shared>> -> memref<128xf32, #tpu.memory_space<vmem_shared>>
      %dma_start3A_238 = arith.constant 384 : i32
      %dma_start3A_239 = tpu.memref_slice %arg11[%dma_start3A_238] : memref<2048xf32, #tpu.memory_space<vmem>> -> memref<128xf32, #tpu.memory_space<vmem>>
      %dma_start3A_240 = tpu.memref_slice %arg13[%add3A_169] : memref<32768xf32, #tpu.memory_space<vmem_shared>> -> memref<128xf32, #tpu.memory_space<vmem_shared>>
      tpu.enqueue_dma source(%dma_start3A_240 : memref<128xf32, #tpu.memory_space<vmem_shared>>) target(%dma_start3A_239 : memref<128xf32, #tpu.memory_space<vmem>>) target_semaphore(%run_scoped3A : memref<!tpu.dma_semaphore, #tpu.memory_space<semaphore_mem>>)
      %dma_wait3A = arith.constant 384 : i32
      %dma_wait3A_241 = tpu.memref_slice %arg11[%dma_wait3A] : memref<2048xf32, #tpu.memory_space<vmem>> -> memref<128xf32, #tpu.memory_space<vmem>>
      %dma_wait3A_242 = tpu.memref_slice %arg13[%add3A_169] : memref<32768xf32, #tpu.memory_space<vmem_shared>> -> memref<128xf32, #tpu.memory_space<vmem_shared>>
      %dma_wait3A_243 = arith.constant 384 : i32
      %dma_wait3A_244 = tpu.memref_slice %arg11[%dma_wait3A_243] : memref<2048xf32, #tpu.memory_space<vmem>> -> memref<128xf32, #tpu.memory_space<vmem>>
      %dma_wait3A_245 = tpu.memref_slice %arg13[%add3A_169] : memref<32768xf32, #tpu.memory_space<vmem_shared>> -> memref<128xf32, #tpu.memory_space<vmem_shared>>
      tpu.wait_dma2 semaphore(%run_scoped3A : memref<!tpu.dma_semaphore, #tpu.memory_space<semaphore_mem>>) src(%dma_wait3A_245 : memref<128xf32, #tpu.memory_space<vmem_shared>>) dst(%dma_wait3A_244 : memref<128xf32, #tpu.memory_space<vmem>>)
      tpu.yield
    }) : () -> ()
    %mul3A_170 = arith.constant 128 : i32
    %mul3A_171 = arith.muli %arg1, %mul3A_170 : i32
    %add3A_172 = arith.constant 8192 : i32
    %add3A_173 = arith.addi %add3A_172, %mul3A_171 : i32
    "tpu.region"() ({
      %run_scoped3A = tpu.sem_alloc : memref<!tpu.dma_semaphore, #tpu.memory_space<semaphore_mem>>
      %dma_start3A = arith.constant 512 : i32
      %dma_start3A_236 = tpu.memref_slice %arg11[%dma_start3A] : memref<2048xf32, #tpu.memory_space<vmem>> -> memref<128xf32, #tpu.memory_space<vmem>>
      %dma_start3A_237 = tpu.memref_slice %arg13[%add3A_173] : memref<32768xf32, #tpu.memory_space<vmem_shared>> -> memref<128xf32, #tpu.memory_space<vmem_shared>>
      %dma_start3A_238 = arith.constant 512 : i32
      %dma_start3A_239 = tpu.memref_slice %arg11[%dma_start3A_238] : memref<2048xf32, #tpu.memory_space<vmem>> -> memref<128xf32, #tpu.memory_space<vmem>>
      %dma_start3A_240 = tpu.memref_slice %arg13[%add3A_173] : memref<32768xf32, #tpu.memory_space<vmem_shared>> -> memref<128xf32, #tpu.memory_space<vmem_shared>>
      tpu.enqueue_dma source(%dma_start3A_240 : memref<128xf32, #tpu.memory_space<vmem_shared>>) target(%dma_start3A_239 : memref<128xf32, #tpu.memory_space<vmem>>) target_semaphore(%run_scoped3A : memref<!tpu.dma_semaphore, #tpu.memory_space<semaphore_mem>>)
      %dma_wait3A = arith.constant 512 : i32
      %dma_wait3A_241 = tpu.memref_slice %arg11[%dma_wait3A] : memref<2048xf32, #tpu.memory_space<vmem>> -> memref<128xf32, #tpu.memory_space<vmem>>
      %dma_wait3A_242 = tpu.memref_slice %arg13[%add3A_173] : memref<32768xf32, #tpu.memory_space<vmem_shared>> -> memref<128xf32, #tpu.memory_space<vmem_shared>>
      %dma_wait3A_243 = arith.constant 512 : i32
      %dma_wait3A_244 = tpu.memref_slice %arg11[%dma_wait3A_243] : memref<2048xf32, #tpu.memory_space<vmem>> -> memref<128xf32, #tpu.memory_space<vmem>>
      %dma_wait3A_245 = tpu.memref_slice %arg13[%add3A_173] : memref<32768xf32, #tpu.memory_space<vmem_shared>> -> memref<128xf32, #tpu.memory_space<vmem_shared>>
      tpu.wait_dma2 semaphore(%run_scoped3A : memref<!tpu.dma_semaphore, #tpu.memory_space<semaphore_mem>>) src(%dma_wait3A_245 : memref<128xf32, #tpu.memory_space<vmem_shared>>) dst(%dma_wait3A_244 : memref<128xf32, #tpu.memory_space<vmem>>)
      tpu.yield
    }) : () -> ()
    %mul3A_174 = arith.constant 128 : i32
    %mul3A_175 = arith.muli %arg1, %mul3A_174 : i32
    %add3A_176 = arith.constant 10240 : i32
    %add3A_177 = arith.addi %add3A_176, %mul3A_175 : i32
    "tpu.region"() ({
      %run_scoped3A = tpu.sem_alloc : memref<!tpu.dma_semaphore, #tpu.memory_space<semaphore_mem>>
      %dma_start3A = arith.constant 640 : i32
      %dma_start3A_236 = tpu.memref_slice %arg11[%dma_start3A] : memref<2048xf32, #tpu.memory_space<vmem>> -> memref<128xf32, #tpu.memory_space<vmem>>
      %dma_start3A_237 = tpu.memref_slice %arg13[%add3A_177] : memref<32768xf32, #tpu.memory_space<vmem_shared>> -> memref<128xf32, #tpu.memory_space<vmem_shared>>
      %dma_start3A_238 = arith.constant 640 : i32
      %dma_start3A_239 = tpu.memref_slice %arg11[%dma_start3A_238] : memref<2048xf32, #tpu.memory_space<vmem>> -> memref<128xf32, #tpu.memory_space<vmem>>
      %dma_start3A_240 = tpu.memref_slice %arg13[%add3A_177] : memref<32768xf32, #tpu.memory_space<vmem_shared>> -> memref<128xf32, #tpu.memory_space<vmem_shared>>
      tpu.enqueue_dma source(%dma_start3A_240 : memref<128xf32, #tpu.memory_space<vmem_shared>>) target(%dma_start3A_239 : memref<128xf32, #tpu.memory_space<vmem>>) target_semaphore(%run_scoped3A : memref<!tpu.dma_semaphore, #tpu.memory_space<semaphore_mem>>)
      %dma_wait3A = arith.constant 640 : i32
      %dma_wait3A_241 = tpu.memref_slice %arg11[%dma_wait3A] : memref<2048xf32, #tpu.memory_space<vmem>> -> memref<128xf32, #tpu.memory_space<vmem>>
      %dma_wait3A_242 = tpu.memref_slice %arg13[%add3A_177] : memref<32768xf32, #tpu.memory_space<vmem_shared>> -> memref<128xf32, #tpu.memory_space<vmem_shared>>
      %dma_wait3A_243 = arith.constant 640 : i32
      %dma_wait3A_244 = tpu.memref_slice %arg11[%dma_wait3A_243] : memref<2048xf32, #tpu.memory_space<vmem>> -> memref<128xf32, #tpu.memory_space<vmem>>
      %dma_wait3A_245 = tpu.memref_slice %arg13[%add3A_177] : memref<32768xf32, #tpu.memory_space<vmem_shared>> -> memref<128xf32, #tpu.memory_space<vmem_shared>>
      tpu.wait_dma2 semaphore(%run_scoped3A : memref<!tpu.dma_semaphore, #tpu.memory_space<semaphore_mem>>) src(%dma_wait3A_245 : memref<128xf32, #tpu.memory_space<vmem_shared>>) dst(%dma_wait3A_244 : memref<128xf32, #tpu.memory_space<vmem>>)
      tpu.yield
    }) : () -> ()
    %mul3A_178 = arith.constant 128 : i32
    %mul3A_179 = arith.muli %arg1, %mul3A_178 : i32
    %add3A_180 = arith.constant 12288 : i32
    %add3A_181 = arith.addi %add3A_180, %mul3A_179 : i32
    "tpu.region"() ({
      %run_scoped3A = tpu.sem_alloc : memref<!tpu.dma_semaphore, #tpu.memory_space<semaphore_mem>>
      %dma_start3A = arith.constant 768 : i32
      %dma_start3A_236 = tpu.memref_slice %arg11[%dma_start3A] : memref<2048xf32, #tpu.memory_space<vmem>> -> memref<128xf32, #tpu.memory_space<vmem>>
      %dma_start3A_237 = tpu.memref_slice %arg13[%add3A_181] : memref<32768xf32, #tpu.memory_space<vmem_shared>> -> memref<128xf32, #tpu.memory_space<vmem_shared>>
      %dma_start3A_238 = arith.constant 768 : i32
      %dma_start3A_239 = tpu.memref_slice %arg11[%dma_start3A_238] : memref<2048xf32, #tpu.memory_space<vmem>> -> memref<128xf32, #tpu.memory_space<vmem>>
      %dma_start3A_240 = tpu.memref_slice %arg13[%add3A_181] : memref<32768xf32, #tpu.memory_space<vmem_shared>> -> memref<128xf32, #tpu.memory_space<vmem_shared>>
      tpu.enqueue_dma source(%dma_start3A_240 : memref<128xf32, #tpu.memory_space<vmem_shared>>) target(%dma_start3A_239 : memref<128xf32, #tpu.memory_space<vmem>>) target_semaphore(%run_scoped3A : memref<!tpu.dma_semaphore, #tpu.memory_space<semaphore_mem>>)
      %dma_wait3A = arith.constant 768 : i32
      %dma_wait3A_241 = tpu.memref_slice %arg11[%dma_wait3A] : memref<2048xf32, #tpu.memory_space<vmem>> -> memref<128xf32, #tpu.memory_space<vmem>>
      %dma_wait3A_242 = tpu.memref_slice %arg13[%add3A_181] : memref<32768xf32, #tpu.memory_space<vmem_shared>> -> memref<128xf32, #tpu.memory_space<vmem_shared>>
      %dma_wait3A_243 = arith.constant 768 : i32
      %dma_wait3A_244 = tpu.memref_slice %arg11[%dma_wait3A_243] : memref<2048xf32, #tpu.memory_space<vmem>> -> memref<128xf32, #tpu.memory_space<vmem>>
      %dma_wait3A_245 = tpu.memref_slice %arg13[%add3A_181] : memref<32768xf32, #tpu.memory_space<vmem_shared>> -> memref<128xf32, #tpu.memory_space<vmem_shared>>
      tpu.wait_dma2 semaphore(%run_scoped3A : memref<!tpu.dma_semaphore, #tpu.memory_space<semaphore_mem>>) src(%dma_wait3A_245 : memref<128xf32, #tpu.memory_space<vmem_shared>>) dst(%dma_wait3A_244 : memref<128xf32, #tpu.memory_space<vmem>>)
      tpu.yield
    }) : () -> ()
    %mul3A_182 = arith.constant 128 : i32
    %mul3A_183 = arith.muli %arg1, %mul3A_182 : i32
    %add3A_184 = arith.constant 14336 : i32
    %add3A_185 = arith.addi %add3A_184, %mul3A_183 : i32
    "tpu.region"() ({
      %run_scoped3A = tpu.sem_alloc : memref<!tpu.dma_semaphore, #tpu.memory_space<semaphore_mem>>
      %dma_start3A = arith.constant 896 : i32
      %dma_start3A_236 = tpu.memref_slice %arg11[%dma_start3A] : memref<2048xf32, #tpu.memory_space<vmem>> -> memref<128xf32, #tpu.memory_space<vmem>>
      %dma_start3A_237 = tpu.memref_slice %arg13[%add3A_185] : memref<32768xf32, #tpu.memory_space<vmem_shared>> -> memref<128xf32, #tpu.memory_space<vmem_shared>>
      %dma_start3A_238 = arith.constant 896 : i32
      %dma_start3A_239 = tpu.memref_slice %arg11[%dma_start3A_238] : memref<2048xf32, #tpu.memory_space<vmem>> -> memref<128xf32, #tpu.memory_space<vmem>>
      %dma_start3A_240 = tpu.memref_slice %arg13[%add3A_185] : memref<32768xf32, #tpu.memory_space<vmem_shared>> -> memref<128xf32, #tpu.memory_space<vmem_shared>>
      tpu.enqueue_dma source(%dma_start3A_240 : memref<128xf32, #tpu.memory_space<vmem_shared>>) target(%dma_start3A_239 : memref<128xf32, #tpu.memory_space<vmem>>) target_semaphore(%run_scoped3A : memref<!tpu.dma_semaphore, #tpu.memory_space<semaphore_mem>>)
      %dma_wait3A = arith.constant 896 : i32
      %dma_wait3A_241 = tpu.memref_slice %arg11[%dma_wait3A] : memref<2048xf32, #tpu.memory_space<vmem>> -> memref<128xf32, #tpu.memory_space<vmem>>
      %dma_wait3A_242 = tpu.memref_slice %arg13[%add3A_185] : memref<32768xf32, #tpu.memory_space<vmem_shared>> -> memref<128xf32, #tpu.memory_space<vmem_shared>>
      %dma_wait3A_243 = arith.constant 896 : i32
      %dma_wait3A_244 = tpu.memref_slice %arg11[%dma_wait3A_243] : memref<2048xf32, #tpu.memory_space<vmem>> -> memref<128xf32, #tpu.memory_space<vmem>>
      %dma_wait3A_245 = tpu.memref_slice %arg13[%add3A_185] : memref<32768xf32, #tpu.memory_space<vmem_shared>> -> memref<128xf32, #tpu.memory_space<vmem_shared>>
      tpu.wait_dma2 semaphore(%run_scoped3A : memref<!tpu.dma_semaphore, #tpu.memory_space<semaphore_mem>>) src(%dma_wait3A_245 : memref<128xf32, #tpu.memory_space<vmem_shared>>) dst(%dma_wait3A_244 : memref<128xf32, #tpu.memory_space<vmem>>)
      tpu.yield
    }) : () -> ()
    %mul3A_186 = arith.constant 128 : i32
    %mul3A_187 = arith.muli %arg1, %mul3A_186 : i32
    %add3A_188 = arith.constant 16384 : i32
    %add3A_189 = arith.addi %add3A_188, %mul3A_187 : i32
    "tpu.region"() ({
      %run_scoped3A = tpu.sem_alloc : memref<!tpu.dma_semaphore, #tpu.memory_space<semaphore_mem>>
      %dma_start3A = arith.constant 1024 : i32
      %dma_start3A_236 = tpu.memref_slice %arg11[%dma_start3A] : memref<2048xf32, #tpu.memory_space<vmem>> -> memref<128xf32, #tpu.memory_space<vmem>>
      %dma_start3A_237 = tpu.memref_slice %arg13[%add3A_189] : memref<32768xf32, #tpu.memory_space<vmem_shared>> -> memref<128xf32, #tpu.memory_space<vmem_shared>>
      %dma_start3A_238 = arith.constant 1024 : i32
      %dma_start3A_239 = tpu.memref_slice %arg11[%dma_start3A_238] : memref<2048xf32, #tpu.memory_space<vmem>> -> memref<128xf32, #tpu.memory_space<vmem>>
      %dma_start3A_240 = tpu.memref_slice %arg13[%add3A_189] : memref<32768xf32, #tpu.memory_space<vmem_shared>> -> memref<128xf32, #tpu.memory_space<vmem_shared>>
      tpu.enqueue_dma source(%dma_start3A_240 : memref<128xf32, #tpu.memory_space<vmem_shared>>) target(%dma_start3A_239 : memref<128xf32, #tpu.memory_space<vmem>>) target_semaphore(%run_scoped3A : memref<!tpu.dma_semaphore, #tpu.memory_space<semaphore_mem>>)
      %dma_wait3A = arith.constant 1024 : i32
      %dma_wait3A_241 = tpu.memref_slice %arg11[%dma_wait3A] : memref<2048xf32, #tpu.memory_space<vmem>> -> memref<128xf32, #tpu.memory_space<vmem>>
      %dma_wait3A_242 = tpu.memref_slice %arg13[%add3A_189] : memref<32768xf32, #tpu.memory_space<vmem_shared>> -> memref<128xf32, #tpu.memory_space<vmem_shared>>
      %dma_wait3A_243 = arith.constant 1024 : i32
      %dma_wait3A_244 = tpu.memref_slice %arg11[%dma_wait3A_243] : memref<2048xf32, #tpu.memory_space<vmem>> -> memref<128xf32, #tpu.memory_space<vmem>>
      %dma_wait3A_245 = tpu.memref_slice %arg13[%add3A_189] : memref<32768xf32, #tpu.memory_space<vmem_shared>> -> memref<128xf32, #tpu.memory_space<vmem_shared>>
      tpu.wait_dma2 semaphore(%run_scoped3A : memref<!tpu.dma_semaphore, #tpu.memory_space<semaphore_mem>>) src(%dma_wait3A_245 : memref<128xf32, #tpu.memory_space<vmem_shared>>) dst(%dma_wait3A_244 : memref<128xf32, #tpu.memory_space<vmem>>)
      tpu.yield
    }) : () -> ()
    %mul3A_190 = arith.constant 128 : i32
    %mul3A_191 = arith.muli %arg1, %mul3A_190 : i32
    %add3A_192 = arith.constant 18432 : i32
    %add3A_193 = arith.addi %add3A_192, %mul3A_191 : i32
    "tpu.region"() ({
      %run_scoped3A = tpu.sem_alloc : memref<!tpu.dma_semaphore, #tpu.memory_space<semaphore_mem>>
      %dma_start3A = arith.constant 1152 : i32
      %dma_start3A_236 = tpu.memref_slice %arg11[%dma_start3A] : memref<2048xf32, #tpu.memory_space<vmem>> -> memref<128xf32, #tpu.memory_space<vmem>>
      %dma_start3A_237 = tpu.memref_slice %arg13[%add3A_193] : memref<32768xf32, #tpu.memory_space<vmem_shared>> -> memref<128xf32, #tpu.memory_space<vmem_shared>>
      %dma_start3A_238 = arith.constant 1152 : i32
      %dma_start3A_239 = tpu.memref_slice %arg11[%dma_start3A_238] : memref<2048xf32, #tpu.memory_space<vmem>> -> memref<128xf32, #tpu.memory_space<vmem>>
      %dma_start3A_240 = tpu.memref_slice %arg13[%add3A_193] : memref<32768xf32, #tpu.memory_space<vmem_shared>> -> memref<128xf32, #tpu.memory_space<vmem_shared>>
      tpu.enqueue_dma source(%dma_start3A_240 : memref<128xf32, #tpu.memory_space<vmem_shared>>) target(%dma_start3A_239 : memref<128xf32, #tpu.memory_space<vmem>>) target_semaphore(%run_scoped3A : memref<!tpu.dma_semaphore, #tpu.memory_space<semaphore_mem>>)
      %dma_wait3A = arith.constant 1152 : i32
      %dma_wait3A_241 = tpu.memref_slice %arg11[%dma_wait3A] : memref<2048xf32, #tpu.memory_space<vmem>> -> memref<128xf32, #tpu.memory_space<vmem>>
      %dma_wait3A_242 = tpu.memref_slice %arg13[%add3A_193] : memref<32768xf32, #tpu.memory_space<vmem_shared>> -> memref<128xf32, #tpu.memory_space<vmem_shared>>
      %dma_wait3A_243 = arith.constant 1152 : i32
      %dma_wait3A_244 = tpu.memref_slice %arg11[%dma_wait3A_243] : memref<2048xf32, #tpu.memory_space<vmem>> -> memref<128xf32, #tpu.memory_space<vmem>>
      %dma_wait3A_245 = tpu.memref_slice %arg13[%add3A_193] : memref<32768xf32, #tpu.memory_space<vmem_shared>> -> memref<128xf32, #tpu.memory_space<vmem_shared>>
      tpu.wait_dma2 semaphore(%run_scoped3A : memref<!tpu.dma_semaphore, #tpu.memory_space<semaphore_mem>>) src(%dma_wait3A_245 : memref<128xf32, #tpu.memory_space<vmem_shared>>) dst(%dma_wait3A_244 : memref<128xf32, #tpu.memory_space<vmem>>)
      tpu.yield
    }) : () -> ()
    %mul3A_194 = arith.constant 128 : i32
    %mul3A_195 = arith.muli %arg1, %mul3A_194 : i32
    %add3A_196 = arith.constant 20480 : i32
    %add3A_197 = arith.addi %add3A_196, %mul3A_195 : i32
    "tpu.region"() ({
      %run_scoped3A = tpu.sem_alloc : memref<!tpu.dma_semaphore, #tpu.memory_space<semaphore_mem>>
      %dma_start3A = arith.constant 1280 : i32
      %dma_start3A_236 = tpu.memref_slice %arg11[%dma_start3A] : memref<2048xf32, #tpu.memory_space<vmem>> -> memref<128xf32, #tpu.memory_space<vmem>>
      %dma_start3A_237 = tpu.memref_slice %arg13[%add3A_197] : memref<32768xf32, #tpu.memory_space<vmem_shared>> -> memref<128xf32, #tpu.memory_space<vmem_shared>>
      %dma_start3A_238 = arith.constant 1280 : i32
      %dma_start3A_239 = tpu.memref_slice %arg11[%dma_start3A_238] : memref<2048xf32, #tpu.memory_space<vmem>> -> memref<128xf32, #tpu.memory_space<vmem>>
      %dma_start3A_240 = tpu.memref_slice %arg13[%add3A_197] : memref<32768xf32, #tpu.memory_space<vmem_shared>> -> memref<128xf32, #tpu.memory_space<vmem_shared>>
      tpu.enqueue_dma source(%dma_start3A_240 : memref<128xf32, #tpu.memory_space<vmem_shared>>) target(%dma_start3A_239 : memref<128xf32, #tpu.memory_space<vmem>>) target_semaphore(%run_scoped3A : memref<!tpu.dma_semaphore, #tpu.memory_space<semaphore_mem>>)
      %dma_wait3A = arith.constant 1280 : i32
      %dma_wait3A_241 = tpu.memref_slice %arg11[%dma_wait3A] : memref<2048xf32, #tpu.memory_space<vmem>> -> memref<128xf32, #tpu.memory_space<vmem>>
      %dma_wait3A_242 = tpu.memref_slice %arg13[%add3A_197] : memref<32768xf32, #tpu.memory_space<vmem_shared>> -> memref<128xf32, #tpu.memory_space<vmem_shared>>
      %dma_wait3A_243 = arith.constant 1280 : i32
      %dma_wait3A_244 = tpu.memref_slice %arg11[%dma_wait3A_243] : memref<2048xf32, #tpu.memory_space<vmem>> -> memref<128xf32, #tpu.memory_space<vmem>>
      %dma_wait3A_245 = tpu.memref_slice %arg13[%add3A_197] : memref<32768xf32, #tpu.memory_space<vmem_shared>> -> memref<128xf32, #tpu.memory_space<vmem_shared>>
      tpu.wait_dma2 semaphore(%run_scoped3A : memref<!tpu.dma_semaphore, #tpu.memory_space<semaphore_mem>>) src(%dma_wait3A_245 : memref<128xf32, #tpu.memory_space<vmem_shared>>) dst(%dma_wait3A_244 : memref<128xf32, #tpu.memory_space<vmem>>)
      tpu.yield
    }) : () -> ()
    %mul3A_198 = arith.constant 128 : i32
    %mul3A_199 = arith.muli %arg1, %mul3A_198 : i32
    %add3A_200 = arith.constant 22528 : i32
    %add3A_201 = arith.addi %add3A_200, %mul3A_199 : i32
    "tpu.region"() ({
      %run_scoped3A = tpu.sem_alloc : memref<!tpu.dma_semaphore, #tpu.memory_space<semaphore_mem>>
      %dma_start3A = arith.constant 1408 : i32
      %dma_start3A_236 = tpu.memref_slice %arg11[%dma_start3A] : memref<2048xf32, #tpu.memory_space<vmem>> -> memref<128xf32, #tpu.memory_space<vmem>>
      %dma_start3A_237 = tpu.memref_slice %arg13[%add3A_201] : memref<32768xf32, #tpu.memory_space<vmem_shared>> -> memref<128xf32, #tpu.memory_space<vmem_shared>>
      %dma_start3A_238 = arith.constant 1408 : i32
      %dma_start3A_239 = tpu.memref_slice %arg11[%dma_start3A_238] : memref<2048xf32, #tpu.memory_space<vmem>> -> memref<128xf32, #tpu.memory_space<vmem>>
      %dma_start3A_240 = tpu.memref_slice %arg13[%add3A_201] : memref<32768xf32, #tpu.memory_space<vmem_shared>> -> memref<128xf32, #tpu.memory_space<vmem_shared>>
      tpu.enqueue_dma source(%dma_start3A_240 : memref<128xf32, #tpu.memory_space<vmem_shared>>) target(%dma_start3A_239 : memref<128xf32, #tpu.memory_space<vmem>>) target_semaphore(%run_scoped3A : memref<!tpu.dma_semaphore, #tpu.memory_space<semaphore_mem>>)
      %dma_wait3A = arith.constant 1408 : i32
      %dma_wait3A_241 = tpu.memref_slice %arg11[%dma_wait3A] : memref<2048xf32, #tpu.memory_space<vmem>> -> memref<128xf32, #tpu.memory_space<vmem>>
      %dma_wait3A_242 = tpu.memref_slice %arg13[%add3A_201] : memref<32768xf32, #tpu.memory_space<vmem_shared>> -> memref<128xf32, #tpu.memory_space<vmem_shared>>
      %dma_wait3A_243 = arith.constant 1408 : i32
      %dma_wait3A_244 = tpu.memref_slice %arg11[%dma_wait3A_243] : memref<2048xf32, #tpu.memory_space<vmem>> -> memref<128xf32, #tpu.memory_space<vmem>>
      %dma_wait3A_245 = tpu.memref_slice %arg13[%add3A_201] : memref<32768xf32, #tpu.memory_space<vmem_shared>> -> memref<128xf32, #tpu.memory_space<vmem_shared>>
      tpu.wait_dma2 semaphore(%run_scoped3A : memref<!tpu.dma_semaphore, #tpu.memory_space<semaphore_mem>>) src(%dma_wait3A_245 : memref<128xf32, #tpu.memory_space<vmem_shared>>) dst(%dma_wait3A_244 : memref<128xf32, #tpu.memory_space<vmem>>)
      tpu.yield
    }) : () -> ()
    %mul3A_202 = arith.constant 128 : i32
    %mul3A_203 = arith.muli %arg1, %mul3A_202 : i32
    %add3A_204 = arith.constant 24576 : i32
    %add3A_205 = arith.addi %add3A_204, %mul3A_203 : i32
    "tpu.region"() ({
      %run_scoped3A = tpu.sem_alloc : memref<!tpu.dma_semaphore, #tpu.memory_space<semaphore_mem>>
      %dma_start3A = arith.constant 1536 : i32
      %dma_start3A_236 = tpu.memref_slice %arg11[%dma_start3A] : memref<2048xf32, #tpu.memory_space<vmem>> -> memref<128xf32, #tpu.memory_space<vmem>>
      %dma_start3A_237 = tpu.memref_slice %arg13[%add3A_205] : memref<32768xf32, #tpu.memory_space<vmem_shared>> -> memref<128xf32, #tpu.memory_space<vmem_shared>>
      %dma_start3A_238 = arith.constant 1536 : i32
      %dma_start3A_239 = tpu.memref_slice %arg11[%dma_start3A_238] : memref<2048xf32, #tpu.memory_space<vmem>> -> memref<128xf32, #tpu.memory_space<vmem>>
      %dma_start3A_240 = tpu.memref_slice %arg13[%add3A_205] : memref<32768xf32, #tpu.memory_space<vmem_shared>> -> memref<128xf32, #tpu.memory_space<vmem_shared>>
      tpu.enqueue_dma source(%dma_start3A_240 : memref<128xf32, #tpu.memory_space<vmem_shared>>) target(%dma_start3A_239 : memref<128xf32, #tpu.memory_space<vmem>>) target_semaphore(%run_scoped3A : memref<!tpu.dma_semaphore, #tpu.memory_space<semaphore_mem>>)
      %dma_wait3A = arith.constant 1536 : i32
      %dma_wait3A_241 = tpu.memref_slice %arg11[%dma_wait3A] : memref<2048xf32, #tpu.memory_space<vmem>> -> memref<128xf32, #tpu.memory_space<vmem>>
      %dma_wait3A_242 = tpu.memref_slice %arg13[%add3A_205] : memref<32768xf32, #tpu.memory_space<vmem_shared>> -> memref<128xf32, #tpu.memory_space<vmem_shared>>
      %dma_wait3A_243 = arith.constant 1536 : i32
      %dma_wait3A_244 = tpu.memref_slice %arg11[%dma_wait3A_243] : memref<2048xf32, #tpu.memory_space<vmem>> -> memref<128xf32, #tpu.memory_space<vmem>>
      %dma_wait3A_245 = tpu.memref_slice %arg13[%add3A_205] : memref<32768xf32, #tpu.memory_space<vmem_shared>> -> memref<128xf32, #tpu.memory_space<vmem_shared>>
      tpu.wait_dma2 semaphore(%run_scoped3A : memref<!tpu.dma_semaphore, #tpu.memory_space<semaphore_mem>>) src(%dma_wait3A_245 : memref<128xf32, #tpu.memory_space<vmem_shared>>) dst(%dma_wait3A_244 : memref<128xf32, #tpu.memory_space<vmem>>)
      tpu.yield
    }) : () -> ()
    %mul3A_206 = arith.constant 128 : i32
    %mul3A_207 = arith.muli %arg1, %mul3A_206 : i32
    %add3A_208 = arith.constant 26624 : i32
    %add3A_209 = arith.addi %add3A_208, %mul3A_207 : i32
    "tpu.region"() ({
      %run_scoped3A = tpu.sem_alloc : memref<!tpu.dma_semaphore, #tpu.memory_space<semaphore_mem>>
      %dma_start3A = arith.constant 1664 : i32
      %dma_start3A_236 = tpu.memref_slice %arg11[%dma_start3A] : memref<2048xf32, #tpu.memory_space<vmem>> -> memref<128xf32, #tpu.memory_space<vmem>>
      %dma_start3A_237 = tpu.memref_slice %arg13[%add3A_209] : memref<32768xf32, #tpu.memory_space<vmem_shared>> -> memref<128xf32, #tpu.memory_space<vmem_shared>>
      %dma_start3A_238 = arith.constant 1664 : i32
      %dma_start3A_239 = tpu.memref_slice %arg11[%dma_start3A_238] : memref<2048xf32, #tpu.memory_space<vmem>> -> memref<128xf32, #tpu.memory_space<vmem>>
      %dma_start3A_240 = tpu.memref_slice %arg13[%add3A_209] : memref<32768xf32, #tpu.memory_space<vmem_shared>> -> memref<128xf32, #tpu.memory_space<vmem_shared>>
      tpu.enqueue_dma source(%dma_start3A_240 : memref<128xf32, #tpu.memory_space<vmem_shared>>) target(%dma_start3A_239 : memref<128xf32, #tpu.memory_space<vmem>>) target_semaphore(%run_scoped3A : memref<!tpu.dma_semaphore, #tpu.memory_space<semaphore_mem>>)
      %dma_wait3A = arith.constant 1664 : i32
      %dma_wait3A_241 = tpu.memref_slice %arg11[%dma_wait3A] : memref<2048xf32, #tpu.memory_space<vmem>> -> memref<128xf32, #tpu.memory_space<vmem>>
      %dma_wait3A_242 = tpu.memref_slice %arg13[%add3A_209] : memref<32768xf32, #tpu.memory_space<vmem_shared>> -> memref<128xf32, #tpu.memory_space<vmem_shared>>
      %dma_wait3A_243 = arith.constant 1664 : i32
      %dma_wait3A_244 = tpu.memref_slice %arg11[%dma_wait3A_243] : memref<2048xf32, #tpu.memory_space<vmem>> -> memref<128xf32, #tpu.memory_space<vmem>>
      %dma_wait3A_245 = tpu.memref_slice %arg13[%add3A_209] : memref<32768xf32, #tpu.memory_space<vmem_shared>> -> memref<128xf32, #tpu.memory_space<vmem_shared>>
      tpu.wait_dma2 semaphore(%run_scoped3A : memref<!tpu.dma_semaphore, #tpu.memory_space<semaphore_mem>>) src(%dma_wait3A_245 : memref<128xf32, #tpu.memory_space<vmem_shared>>) dst(%dma_wait3A_244 : memref<128xf32, #tpu.memory_space<vmem>>)
      tpu.yield
    }) : () -> ()
    %mul3A_210 = arith.constant 128 : i32
    %mul3A_211 = arith.muli %arg1, %mul3A_210 : i32
    %add3A_212 = arith.constant 28672 : i32
    %add3A_213 = arith.addi %add3A_212, %mul3A_211 : i32
    "tpu.region"() ({
      %run_scoped3A = tpu.sem_alloc : memref<!tpu.dma_semaphore, #tpu.memory_space<semaphore_mem>>
      %dma_start3A = arith.constant 1792 : i32
      %dma_start3A_236 = tpu.memref_slice %arg11[%dma_start3A] : memref<2048xf32, #tpu.memory_space<vmem>> -> memref<128xf32, #tpu.memory_space<vmem>>
      %dma_start3A_237 = tpu.memref_slice %arg13[%add3A_213] : memref<32768xf32, #tpu.memory_space<vmem_shared>> -> memref<128xf32, #tpu.memory_space<vmem_shared>>
      %dma_start3A_238 = arith.constant 1792 : i32
      %dma_start3A_239 = tpu.memref_slice %arg11[%dma_start3A_238] : memref<2048xf32, #tpu.memory_space<vmem>> -> memref<128xf32, #tpu.memory_space<vmem>>
      %dma_start3A_240 = tpu.memref_slice %arg13[%add3A_213] : memref<32768xf32, #tpu.memory_space<vmem_shared>> -> memref<128xf32, #tpu.memory_space<vmem_shared>>
      tpu.enqueue_dma source(%dma_start3A_240 : memref<128xf32, #tpu.memory_space<vmem_shared>>) target(%dma_start3A_239 : memref<128xf32, #tpu.memory_space<vmem>>) target_semaphore(%run_scoped3A : memref<!tpu.dma_semaphore, #tpu.memory_space<semaphore_mem>>)
      %dma_wait3A = arith.constant 1792 : i32
      %dma_wait3A_241 = tpu.memref_slice %arg11[%dma_wait3A] : memref<2048xf32, #tpu.memory_space<vmem>> -> memref<128xf32, #tpu.memory_space<vmem>>
      %dma_wait3A_242 = tpu.memref_slice %arg13[%add3A_213] : memref<32768xf32, #tpu.memory_space<vmem_shared>> -> memref<128xf32, #tpu.memory_space<vmem_shared>>
      %dma_wait3A_243 = arith.constant 1792 : i32
      %dma_wait3A_244 = tpu.memref_slice %arg11[%dma_wait3A_243] : memref<2048xf32, #tpu.memory_space<vmem>> -> memref<128xf32, #tpu.memory_space<vmem>>
      %dma_wait3A_245 = tpu.memref_slice %arg13[%add3A_213] : memref<32768xf32, #tpu.memory_space<vmem_shared>> -> memref<128xf32, #tpu.memory_space<vmem_shared>>
      tpu.wait_dma2 semaphore(%run_scoped3A : memref<!tpu.dma_semaphore, #tpu.memory_space<semaphore_mem>>) src(%dma_wait3A_245 : memref<128xf32, #tpu.memory_space<vmem_shared>>) dst(%dma_wait3A_244 : memref<128xf32, #tpu.memory_space<vmem>>)
      tpu.yield
    }) : () -> ()
    %mul3A_214 = arith.constant 128 : i32
    %mul3A_215 = arith.muli %arg1, %mul3A_214 : i32
    %add3A_216 = arith.constant 30720 : i32
    %add3A_217 = arith.addi %add3A_216, %mul3A_215 : i32
    "tpu.region"() ({
      %run_scoped3A = tpu.sem_alloc : memref<!tpu.dma_semaphore, #tpu.memory_space<semaphore_mem>>
      %dma_start3A = arith.constant 1920 : i32
      %dma_start3A_236 = tpu.memref_slice %arg11[%dma_start3A] : memref<2048xf32, #tpu.memory_space<vmem>> -> memref<128xf32, #tpu.memory_space<vmem>>
      %dma_start3A_237 = tpu.memref_slice %arg13[%add3A_217] : memref<32768xf32, #tpu.memory_space<vmem_shared>> -> memref<128xf32, #tpu.memory_space<vmem_shared>>
      %dma_start3A_238 = arith.constant 1920 : i32
      %dma_start3A_239 = tpu.memref_slice %arg11[%dma_start3A_238] : memref<2048xf32, #tpu.memory_space<vmem>> -> memref<128xf32, #tpu.memory_space<vmem>>
      %dma_start3A_240 = tpu.memref_slice %arg13[%add3A_217] : memref<32768xf32, #tpu.memory_space<vmem_shared>> -> memref<128xf32, #tpu.memory_space<vmem_shared>>
      tpu.enqueue_dma source(%dma_start3A_240 : memref<128xf32, #tpu.memory_space<vmem_shared>>) target(%dma_start3A_239 : memref<128xf32, #tpu.memory_space<vmem>>) target_semaphore(%run_scoped3A : memref<!tpu.dma_semaphore, #tpu.memory_space<semaphore_mem>>)
      %dma_wait3A = arith.constant 1920 : i32
      %dma_wait3A_241 = tpu.memref_slice %arg11[%dma_wait3A] : memref<2048xf32, #tpu.memory_space<vmem>> -> memref<128xf32, #tpu.memory_space<vmem>>
      %dma_wait3A_242 = tpu.memref_slice %arg13[%add3A_217] : memref<32768xf32, #tpu.memory_space<vmem_shared>> -> memref<128xf32, #tpu.memory_space<vmem_shared>>
      %dma_wait3A_243 = arith.constant 1920 : i32
      %dma_wait3A_244 = tpu.memref_slice %arg11[%dma_wait3A_243] : memref<2048xf32, #tpu.memory_space<vmem>> -> memref<128xf32, #tpu.memory_space<vmem>>
      %dma_wait3A_245 = tpu.memref_slice %arg13[%add3A_217] : memref<32768xf32, #tpu.memory_space<vmem_shared>> -> memref<128xf32, #tpu.memory_space<vmem_shared>>
      tpu.wait_dma2 semaphore(%run_scoped3A : memref<!tpu.dma_semaphore, #tpu.memory_space<semaphore_mem>>) src(%dma_wait3A_245 : memref<128xf32, #tpu.memory_space<vmem_shared>>) dst(%dma_wait3A_244 : memref<128xf32, #tpu.memory_space<vmem>>)
      tpu.yield
    }) : () -> ()
    %broadcast_in_dim3A_218 = arith.constant 0.000000e+00 : f32
    %broadcast_in_dim3A_219 = vector.broadcast %broadcast_in_dim3A_218 : f32 to vector<16xf32>
    %scan3A_220 = arith.constant 0 : i32
    %scan3A_221 = arith.constant 8 : i32
    %scan3A_222 = arith.addi %scan3A_220, %scan3A_221 : i32
    %scan3A_223 = arith.constant 1 : i32
    %scan3A_224 = scf.for %scan3A_236 = %scan3A_220 to %scan3A_222 step %scan3A_223 iter_args(%scan3A_237 = %broadcast_in_dim3A_219) -> (vector<16xf32>)  : i32 {
      %mul3A_238 = arith.constant 16 : i32
      %mul3A_239 = arith.muli %scan3A_236, %mul3A_238 : i32
      %get3A_240 = arith.index_cast %mul3A_239 : i32 to index
      %get3A_241 = tpu.vector_load %arg11[%get3A_240] {strides = array<i32>} : memref<2048xf32, #tpu.memory_space<vmem>>, vector<16xf32>,
      %get3A_242 = vector.shape_cast %get3A_241 : vector<16xf32> to vector<16xf32>
      %mul3A_243 = arith.constant 16 : i32
      %mul3A_244 = arith.muli %scan3A_236, %mul3A_243 : i32
      %add3A_245 = arith.constant 128 : i32
      %add3A_246 = arith.addi %add3A_245, %mul3A_244 : i32
      %get3A_247 = arith.index_cast %add3A_246 : i32 to index
      %get3A_248 = tpu.vector_load %arg11[%get3A_247] {strides = array<i32>} : memref<2048xf32, #tpu.memory_space<vmem>>, vector<16xf32>,
      %get3A_249 = vector.shape_cast %get3A_248 : vector<16xf32> to vector<16xf32>
      %min3A_250 = arith.minimumf %get3A_242, %get3A_249 : vector<16xf32>
      %mul3A_251 = arith.constant 16 : i32
      %mul3A_252 = arith.muli %scan3A_236, %mul3A_251 : i32
      %add3A_253 = arith.constant 256 : i32
      %add3A_254 = arith.addi %add3A_253, %mul3A_252 : i32
      %get3A_255 = arith.index_cast %add3A_254 : i32 to index
      %get3A_256 = tpu.vector_load %arg11[%get3A_255] {strides = array<i32>} : memref<2048xf32, #tpu.memory_space<vmem>>, vector<16xf32>,
      %get3A_257 = vector.shape_cast %get3A_256 : vector<16xf32> to vector<16xf32>
      %min3A_258 = arith.minimumf %min3A_250, %get3A_257 : vector<16xf32>
      %mul3A_259 = arith.constant 16 : i32
      %mul3A_260 = arith.muli %scan3A_236, %mul3A_259 : i32
      %add3A_261 = arith.constant 384 : i32
      %add3A_262 = arith.addi %add3A_261, %mul3A_260 : i32
      %get3A_263 = arith.index_cast %add3A_262 : i32 to index
      %get3A_264 = tpu.vector_load %arg11[%get3A_263] {strides = array<i32>} : memref<2048xf32, #tpu.memory_space<vmem>>, vector<16xf32>,
      %get3A_265 = vector.shape_cast %get3A_264 : vector<16xf32> to vector<16xf32>
      %min3A_266 = arith.minimumf %min3A_258, %get3A_265 : vector<16xf32>
      %mul3A_267 = arith.constant 16 : i32
      %mul3A_268 = arith.muli %scan3A_236, %mul3A_267 : i32
      %add3A_269 = arith.constant 512 : i32
      %add3A_270 = arith.addi %add3A_269, %mul3A_268 : i32
      %get3A_271 = arith.index_cast %add3A_270 : i32 to index
      %get3A_272 = tpu.vector_load %arg11[%get3A_271] {strides = array<i32>} : memref<2048xf32, #tpu.memory_space<vmem>>, vector<16xf32>,
      %get3A_273 = vector.shape_cast %get3A_272 : vector<16xf32> to vector<16xf32>
      %min3A_274 = arith.minimumf %min3A_266, %get3A_273 : vector<16xf32>
      %mul3A_275 = arith.constant 16 : i32
      %mul3A_276 = arith.muli %scan3A_236, %mul3A_275 : i32
      %add3A_277 = arith.constant 640 : i32
      %add3A_278 = arith.addi %add3A_277, %mul3A_276 : i32
      %get3A_279 = arith.index_cast %add3A_278 : i32 to index
      %get3A_280 = tpu.vector_load %arg11[%get3A_279] {strides = array<i32>} : memref<2048xf32, #tpu.memory_space<vmem>>, vector<16xf32>,
      %get3A_281 = vector.shape_cast %get3A_280 : vector<16xf32> to vector<16xf32>
      %min3A_282 = arith.minimumf %min3A_274, %get3A_281 : vector<16xf32>
      %mul3A_283 = arith.constant 16 : i32
      %mul3A_284 = arith.muli %scan3A_236, %mul3A_283 : i32
      %add3A_285 = arith.constant 768 : i32
      %add3A_286 = arith.addi %add3A_285, %mul3A_284 : i32
      %get3A_287 = arith.index_cast %add3A_286 : i32 to index
      %get3A_288 = tpu.vector_load %arg11[%get3A_287] {strides = array<i32>} : memref<2048xf32, #tpu.memory_space<vmem>>, vector<16xf32>,
      %get3A_289 = vector.shape_cast %get3A_288 : vector<16xf32> to vector<16xf32>
      %min3A_290 = arith.minimumf %min3A_282, %get3A_289 : vector<16xf32>
      %mul3A_291 = arith.constant 16 : i32
      %mul3A_292 = arith.muli %scan3A_236, %mul3A_291 : i32
      %add3A_293 = arith.constant 896 : i32
      %add3A_294 = arith.addi %add3A_293, %mul3A_292 : i32
      %get3A_295 = arith.index_cast %add3A_294 : i32 to index
      %get3A_296 = tpu.vector_load %arg11[%get3A_295] {strides = array<i32>} : memref<2048xf32, #tpu.memory_space<vmem>>, vector<16xf32>,
      %get3A_297 = vector.shape_cast %get3A_296 : vector<16xf32> to vector<16xf32>
      %min3A_298 = arith.minimumf %min3A_290, %get3A_297 : vector<16xf32>
      %mul3A_299 = arith.constant 16 : i32
      %mul3A_300 = arith.muli %scan3A_236, %mul3A_299 : i32
      %add3A_301 = arith.constant 1024 : i32
      %add3A_302 = arith.addi %add3A_301, %mul3A_300 : i32
      %get3A_303 = arith.index_cast %add3A_302 : i32 to index
      %get3A_304 = tpu.vector_load %arg11[%get3A_303] {strides = array<i32>} : memref<2048xf32, #tpu.memory_space<vmem>>, vector<16xf32>,
      %get3A_305 = vector.shape_cast %get3A_304 : vector<16xf32> to vector<16xf32>
      %min3A_306 = arith.minimumf %min3A_298, %get3A_305 : vector<16xf32>
      %mul3A_307 = arith.constant 16 : i32
      %mul3A_308 = arith.muli %scan3A_236, %mul3A_307 : i32
      %add3A_309 = arith.constant 1152 : i32
      %add3A_310 = arith.addi %add3A_309, %mul3A_308 : i32
      %get3A_311 = arith.index_cast %add3A_310 : i32 to index
      %get3A_312 = tpu.vector_load %arg11[%get3A_311] {strides = array<i32>} : memref<2048xf32, #tpu.memory_space<vmem>>, vector<16xf32>,
      %get3A_313 = vector.shape_cast %get3A_312 : vector<16xf32> to vector<16xf32>
      %min3A_314 = arith.minimumf %min3A_306, %get3A_313 : vector<16xf32>
      %mul3A_315 = arith.constant 16 : i32
      %mul3A_316 = arith.muli %scan3A_236, %mul3A_315 : i32
      %add3A_317 = arith.constant 1280 : i32
      %add3A_318 = arith.addi %add3A_317, %mul3A_316 : i32
      %get3A_319 = arith.index_cast %add3A_318 : i32 to index
      %get3A_320 = tpu.vector_load %arg11[%get3A_319] {strides = array<i32>} : memref<2048xf32, #tpu.memory_space<vmem>>, vector<16xf32>,
      %get3A_321 = vector.shape_cast %get3A_320 : vector<16xf32> to vector<16xf32>
      %min3A_322 = arith.minimumf %min3A_314, %get3A_321 : vector<16xf32>
      %mul3A_323 = arith.constant 16 : i32
      %mul3A_324 = arith.muli %scan3A_236, %mul3A_323 : i32
      %add3A_325 = arith.constant 1408 : i32
      %add3A_326 = arith.addi %add3A_325, %mul3A_324 : i32
      %get3A_327 = arith.index_cast %add3A_326 : i32 to index
      %get3A_328 = tpu.vector_load %arg11[%get3A_327] {strides = array<i32>} : memref<2048xf32, #tpu.memory_space<vmem>>, vector<16xf32>,
      %get3A_329 = vector.shape_cast %get3A_328 : vector<16xf32> to vector<16xf32>
      %min3A_330 = arith.minimumf %min3A_322, %get3A_329 : vector<16xf32>
      %mul3A_331 = arith.constant 16 : i32
      %mul3A_332 = arith.muli %scan3A_236, %mul3A_331 : i32
      %add3A_333 = arith.constant 1536 : i32
      %add3A_334 = arith.addi %add3A_333, %mul3A_332 : i32
      %get3A_335 = arith.index_cast %add3A_334 : i32 to index
      %get3A_336 = tpu.vector_load %arg11[%get3A_335] {strides = array<i32>} : memref<2048xf32, #tpu.memory_space<vmem>>, vector<16xf32>,
      %get3A_337 = vector.shape_cast %get3A_336 : vector<16xf32> to vector<16xf32>
      %min3A_338 = arith.minimumf %min3A_330, %get3A_337 : vector<16xf32>
      %mul3A_339 = arith.constant 16 : i32
      %mul3A_340 = arith.muli %scan3A_236, %mul3A_339 : i32
      %add3A_341 = arith.constant 1664 : i32
      %add3A_342 = arith.addi %add3A_341, %mul3A_340 : i32
      %get3A_343 = arith.index_cast %add3A_342 : i32 to index
      %get3A_344 = tpu.vector_load %arg11[%get3A_343] {strides = array<i32>} : memref<2048xf32, #tpu.memory_space<vmem>>, vector<16xf32>,
      %get3A_345 = vector.shape_cast %get3A_344 : vector<16xf32> to vector<16xf32>
      %min3A_346 = arith.minimumf %min3A_338, %get3A_345 : vector<16xf32>
      %mul3A_347 = arith.constant 16 : i32
      %mul3A_348 = arith.muli %scan3A_236, %mul3A_347 : i32
      %add3A_349 = arith.constant 1792 : i32
      %add3A_350 = arith.addi %add3A_349, %mul3A_348 : i32
      %get3A_351 = arith.index_cast %add3A_350 : i32 to index
      %get3A_352 = tpu.vector_load %arg11[%get3A_351] {strides = array<i32>} : memref<2048xf32, #tpu.memory_space<vmem>>, vector<16xf32>,
      %get3A_353 = vector.shape_cast %get3A_352 : vector<16xf32> to vector<16xf32>
      %min3A_354 = arith.minimumf %min3A_346, %get3A_353 : vector<16xf32>
      %mul3A_355 = arith.constant 16 : i32
      %mul3A_356 = arith.muli %scan3A_236, %mul3A_355 : i32
      %add3A_357 = arith.constant 1920 : i32
      %add3A_358 = arith.addi %add3A_357, %mul3A_356 : i32
      %get3A_359 = arith.index_cast %add3A_358 : i32 to index
      %get3A_360 = tpu.vector_load %arg11[%get3A_359] {strides = array<i32>} : memref<2048xf32, #tpu.memory_space<vmem>>, vector<16xf32>,
      %get3A_361 = vector.shape_cast %get3A_360 : vector<16xf32> to vector<16xf32>
      %min3A_362 = arith.minimumf %min3A_354, %get3A_361 : vector<16xf32>
      %add3A_363 = arith.addf %scan3A_237, %min3A_362 : vector<16xf32>
      scf.yield %add3A_363 : vector<16xf32>
    }
    %scan3A_225 = arith.constant 8 : i32
    %add3A_226 = arith.addf %add3A_142, %scan3A_224 : vector<16xf32>
    %mul3A_227 = arith.constant 6.10351563E-5 : f32
    %mul3A_228 = vector.broadcast %mul3A_227 : f32 to vector<16xf32>
    %mul3A_229 = arith.mulf %add3A_226, %mul3A_228 : vector<16xf32>
    %swap3A_230 = arith.constant 0 : index
    %swap3A_231 = tpu.vector_load %arg12[%swap3A_230] {strides = array<i32>} : memref<16xf32, #tpu.memory_space<vmem>>, vector<16xf32>,
    %swap3A_232 = vector.shape_cast %swap3A_231 : vector<16xf32> to vector<16xf32>
    %swap3A_233 = vector.shape_cast %mul3A_229 : vector<16xf32> to vector<16xf32>
    tpu.vector_store %arg12[%swap3A_230], %swap3A_233 {strides = array<i32>} : memref<16xf32, #tpu.memory_space<vmem>>, vector<16xf32>,
    %mul3A_234 = arith.constant 16 : i32
    %mul3A_235 = arith.muli %add3A, %mul3A_234 : i32
    "tpu.region"() ({
      %run_scoped3A = tpu.sem_alloc : memref<!tpu.dma_semaphore, #tpu.memory_space<semaphore_mem>>
      %dma_start3A = tpu.memref_slice %arg3[%mul3A_235] : memref<512xf32, #tpu.memory_space<hbm>> -> memref<16xf32, #tpu.memory_space<hbm>>
      %dma_start3A_236 = tpu.memref_slice %arg3[%mul3A_235] : memref<512xf32, #tpu.memory_space<hbm>> -> memref<16xf32, #tpu.memory_space<hbm>>
      tpu.enqueue_dma source(%arg12 : memref<16xf32, #tpu.memory_space<vmem>>) target(%dma_start3A_236 : memref<16xf32, #tpu.memory_space<hbm>>) target_semaphore(%run_scoped3A : memref<!tpu.dma_semaphore, #tpu.memory_space<semaphore_mem>>)
      %dma_wait3A = tpu.memref_slice %arg3[%mul3A_235] : memref<512xf32, #tpu.memory_space<hbm>> -> memref<16xf32, #tpu.memory_space<hbm>>
      %dma_wait3A_237 = tpu.memref_slice %arg3[%mul3A_235] : memref<512xf32, #tpu.memory_space<hbm>> -> memref<16xf32, #tpu.memory_space<hbm>>
      tpu.wait_dma2 semaphore(%run_scoped3A : memref<!tpu.dma_semaphore, #tpu.memory_space<semaphore_mem>>) src(%arg12 : memref<16xf32, #tpu.memory_space<vmem>>) dst(%dma_wait3A_237 : memref<16xf32, #tpu.memory_space<hbm>>)
      tpu.yield
    }) : () -> ()
    return
  }
}

module attributes {stable_mosaic.version = 14 : i64} {
  func.func @_tc_body(%arg0: i32, %arg1: memref<1x2048x3xf32, #tpu.memory_space<vmem>>, %arg2: memref<1x3x2048xf32, #tpu.memory_space<vmem>>, %arg3: memref<1x1xf32, #tpu.memory_space<smem>>) attributes {dimension_semantics = [#tpu.dimension_semantics<arbitrary>], iteration_bounds = array<i64: 6>, scalar_prefetch = 0 : i64, scratch_operands = 0 : i64, tpu.core_type = #tpu.core_type<tc>, window_params = [{transform_indices = @transform_0, window_bounds = array<i64: 1, 2048, 3>}, {transform_indices = @transform_1, window_bounds = array<i64: 1, 3, 2048>}, {transform_indices = @transform_2, window_bounds = array<i64: 1, 1>}]} {
    %get3A = arith.constant 0 : index
    %get3A_0 = arith.constant 0 : index
    %get3A_1 = arith.constant 0 : index
    %get3A_2 = vector.load %arg1[%get3A, %get3A_0, %get3A_1] : memref<1x2048x3xf32, #tpu.memory_space<vmem>>, vector<1x2048x3xf32>
    %get3A_3 = vector.shape_cast %get3A_2 : vector<1x2048x3xf32> to vector<2048x3xf32>
    %get3A_4 = arith.constant 0 : index
    %get3A_5 = arith.constant 0 : index
    %get3A_6 = arith.constant 0 : index
    %get3A_7 = vector.load %arg2[%get3A_4, %get3A_5, %get3A_6] : memref<1x3x2048xf32, #tpu.memory_space<vmem>>, vector<1x3x2048xf32>
    %get3A_8 = vector.shape_cast %get3A_7 : vector<1x3x2048xf32> to vector<3x2048xf32>
    %slice3A = vector.extract_strided_slice %get3A_3 {offsets = [0, 0], sizes = [2048, 1], strides = [1, 1]} : vector<2048x3xf32> to vector<2048x1xf32>
    %slice3A_9 = vector.extract_strided_slice %get3A_8 {offsets = [0, 0], sizes = [1, 2048], strides = [1, 1]} : vector<3x2048xf32> to vector<1x2048xf32>
    %sub3A = vector.broadcast %slice3A : vector<2048x1xf32> to vector<2048x2048xf32>
    %sub3A_10 = vector.broadcast %slice3A_9 : vector<1x2048xf32> to vector<2048x2048xf32>
    %sub3A_11 = arith.subf %sub3A, %sub3A_10 : vector<2048x2048xf32>
    %integer_pow3A = arith.mulf %sub3A_11, %sub3A_11 : vector<2048x2048xf32>
    %slice3A_12 = vector.extract_strided_slice %get3A_3 {offsets = [0, 1], sizes = [2048, 1], strides = [1, 1]} : vector<2048x3xf32> to vector<2048x1xf32>
    %slice3A_13 = vector.extract_strided_slice %get3A_8 {offsets = [1, 0], sizes = [1, 2048], strides = [1, 1]} : vector<3x2048xf32> to vector<1x2048xf32>
    %sub3A_14 = vector.broadcast %slice3A_12 : vector<2048x1xf32> to vector<2048x2048xf32>
    %sub3A_15 = vector.broadcast %slice3A_13 : vector<1x2048xf32> to vector<2048x2048xf32>
    %sub3A_16 = arith.subf %sub3A_14, %sub3A_15 : vector<2048x2048xf32>
    %integer_pow3A_17 = arith.mulf %sub3A_16, %sub3A_16 : vector<2048x2048xf32>
    %add3A = arith.addf %integer_pow3A, %integer_pow3A_17 : vector<2048x2048xf32>
    %slice3A_18 = vector.extract_strided_slice %get3A_3 {offsets = [0, 2], sizes = [2048, 1], strides = [1, 1]} : vector<2048x3xf32> to vector<2048x1xf32>
    %slice3A_19 = vector.extract_strided_slice %get3A_8 {offsets = [2, 0], sizes = [1, 2048], strides = [1, 1]} : vector<3x2048xf32> to vector<1x2048xf32>
    %sub3A_20 = vector.broadcast %slice3A_18 : vector<2048x1xf32> to vector<2048x2048xf32>
    %sub3A_21 = vector.broadcast %slice3A_19 : vector<1x2048xf32> to vector<2048x2048xf32>
    %sub3A_22 = arith.subf %sub3A_20, %sub3A_21 : vector<2048x2048xf32>
    %integer_pow3A_23 = arith.mulf %sub3A_22, %sub3A_22 : vector<2048x2048xf32>
    %add3A_24 = arith.addf %add3A, %integer_pow3A_23 : vector<2048x2048xf32>
    %reduce_min3A = arith.constant dense<0x7F800000> : vector<2048xf32>
    %reduce_min3A_25 = vector.multi_reduction <minimumf>, %add3A_24, %reduce_min3A [1] : vector<2048x2048xf32> to vector<2048xf32>
    %reduce_sum3A = vector.shape_cast %reduce_min3A_25 : vector<2048xf32> to vector<1x2048xf32>
    %reduce_sum3A_26 = arith.constant dense<0.000000e+00> : vector<1xf32>
    %reduce_sum3A_27 = vector.multi_reduction <add>, %reduce_sum3A, %reduce_sum3A_26 [1] : vector<1x2048xf32> to vector<1xf32>
    %reduce_sum3A_28 = vector.shape_cast %reduce_sum3A_27 : vector<1xf32> to vector<1x1xf32>
    %reduce_sum3A_29 = vector.extract %reduce_sum3A_28[0, 0] : f32 from vector<1x1xf32>
    %reduce_min3A_30 = arith.constant dense<0x7F800000> : vector<2048xf32>
    %reduce_min3A_31 = vector.multi_reduction <minimumf>, %add3A_24, %reduce_min3A_30 [0] : vector<2048x2048xf32> to vector<2048xf32>
    %reduce_sum3A_32 = vector.shape_cast %reduce_min3A_31 : vector<2048xf32> to vector<1x2048xf32>
    %reduce_sum3A_33 = arith.constant dense<0.000000e+00> : vector<1xf32>
    %reduce_sum3A_34 = vector.multi_reduction <add>, %reduce_sum3A_32, %reduce_sum3A_33 [1] : vector<1x2048xf32> to vector<1xf32>
    %reduce_sum3A_35 = vector.shape_cast %reduce_sum3A_34 : vector<1xf32> to vector<1x1xf32>
    %reduce_sum3A_36 = vector.extract %reduce_sum3A_35[0, 0] : f32 from vector<1x1xf32>
    %eq3A = arith.constant 0 : i32
    %eq3A_37 = arith.cmpi eq, %arg0, %eq3A : i32
    %convert_element_type3A = arith.extui %eq3A_37 : i1 to i32
    %cond3A = arith.constant 0 : i32
    %cond3A_38 = arith.cmpi ne, %convert_element_type3A, %cond3A : i32
    scf.if %cond3A_38 {
      %swap3A_47 = arith.constant 0.000000e+00 : f32
      %swap3A_48 = arith.constant 0 : index
      %swap3A_49 = arith.constant 0 : index
      %swap3A_50 = memref.load %arg3[%swap3A_48, %swap3A_49] : memref<1x1xf32, #tpu.memory_space<smem>>
      memref.store %swap3A_47, %arg3[%swap3A_48, %swap3A_49] : memref<1x1xf32, #tpu.memory_space<smem>>
    } else {
    }
    %get3A_39 = arith.constant 0 : index
    %get3A_40 = arith.constant 0 : index
    %get3A_41 = memref.load %arg3[%get3A_39, %get3A_40] : memref<1x1xf32, #tpu.memory_space<smem>>
    %add3A_42 = arith.addf %reduce_sum3A_29, %reduce_sum3A_36 : f32
    %mul3A = arith.constant 6.10351563E-5 : f32
    %mul3A_43 = arith.mulf %add3A_42, %mul3A : f32
    %add3A_44 = arith.addf %get3A_41, %mul3A_43 : f32
    %swap3A = arith.constant 0 : index
    %swap3A_45 = arith.constant 0 : index
    %swap3A_46 = memref.load %arg3[%swap3A, %swap3A_45] : memref<1x1xf32, #tpu.memory_space<smem>>
    memref.store %add3A_44, %arg3[%swap3A, %swap3A_45] : memref<1x1xf32, #tpu.memory_space<smem>>
    return
  }
  func.func @transform_0(%arg0: i32) -> (i32, i32, i32) {
    %add3A = arith.constant 2 : i32
    %add3A_0 = arith.addi %arg0, %add3A : i32
    %c0_i32 = arith.constant 0 : i32
    %c0_i32_1 = arith.constant 0 : i32
    %c0_i32_2 = arith.constant 0 : i32
    return %add3A_0, %c0_i32, %c0_i32_1 : i32, i32, i32
  }
  func.func @transform_1(%arg0: i32) -> (i32, i32, i32) {
    %c0_i32 = arith.constant 0 : i32
    %c0_i32_0 = arith.constant 0 : i32
    %c0_i32_1 = arith.constant 0 : i32
    return %arg0, %c0_i32, %c0_i32_0 : i32, i32, i32
  }
  func.func @transform_2(%arg0: i32) -> (i32, i32) {
    %c0_i32 = arith.constant 0 : i32
    %c0_i32_0 = arith.constant 0 : i32
    %c0_i32_1 = arith.constant 0 : i32
    return %c0_i32, %c0_i32_0 : i32, i32
  }
}

</mosaic_0001>

<sc_bundles>
// kernel: kernel.4.cloned.1.call-start
scs
__scs_entry_jumppad:
0x0: {  	(pc) =	sbr.rel $0x88, $3  }
0x1: {  	(tag) =	ssettag $0x0;
	lr =	simm.s32 $0x1  }
0x2: {  	[smem:$0x3F9F] =	sst lr;
	_ =	strace $0xD0000000  }
0x3: {  	_ = 	snop  }
0x4: {  	_ = 	snop  }
0x5: {  	_ = 	snop  }
0x6: {  	_ = 	snop  }
0x7: {  	_ = 	snop  }
__scs_overlays_trampoline_lowered:
0x8: {  	[smem:$0x3FAE] =	sst s0  }
0x9: {  	[smem:$0x3FAF] =	sst s1  }
0xa: {  	[smem:$0x3FB0] =	sst s2  }
0xb: {  	[smem:$0x3FB1] =	sst s3  }
0xc: {  	[smem:$0x3FB2] =	sst s4  }
0xd: {  	[smem:$0x3FB3] =	sst s5  }
0xe: {  	[smem:$0x3FB4] =	sst s6  }
0xf: {  	[smem:$0x3FB5] =	sst s7  }
0x10: {  	[smem:$0x3FB6] =	sst s8  }
0x11: {  	[smem:$0x3FB7] =	sst s9;
	s0 =	simm.s32 @!p0 $0x0  }
0x12: {  	s1 =	sld [smem:$0x3F9D];
	s0 =	simm.s32 @p0 $0x1  }
0x13: {  	[smem:$0x3FB8] =	sst s0;
	s0 =	simm.s32 @!p1 $0x0  }
0x14: {  	s2 =	sld [smem:$0x3F9C];
	s0 =	simm.s32 @p1 $0x1  }
0x15: {  	[smem:$0x3FB9] =	sst s0;
	s0 =	simm.s32 @!p2 $0x0  }
0x16: {  	s3 =	sld [smem:$0x3FDB];
	s0 =	simm.s32 @p2 $0x1  }
0x17: {  	s4 =	simm.s32 $0x1BF5;
	[smem:$0x3FBB] =	sst s0  }
0x18: {  	s0 =	sld [smem:$0x3F9E];
	_ =	swait.ge [sflag:s4], $0x0  }
0x19: {  	s7 =	sld [smem:$0x3F9F]  }
0x1a: {  	s8 =	sadd.s32 $0xFFFFE003, lr  }
0x1b: {  	s9 =	sadd.s32 $0xFFFFFEF7, lr;
	s5 =	simm.s32 $0xFFFFFFFF;
	p2 =	slt.u32 s8, $0xFFFFF086  }
0x1c: {  	p1 =	slt.u32 s9, $0xF7A;
	s5 =	simm.s32 @!p2 $0x0  }
0x1d: {  	s5 =	simm.s32 @p1 $0x1;
	p0 =	seq.s32 s7, s2  }
0x1e: {  	s7 =	smul.u32 @!p0 $0xF7A, s2;
	p2 =	seq.s32 @!p0 s5, $0x0  }
0x1f: {  	s9 =	smul.u32 $0xF7A, s1;
	s8 =	simm.s32 @!p0 $0x1BF5;
	p2 =	por !p2, p0  }
0x20: {  	[sflag:s8] =	ssyncset.s32 @!p0 $0xFFFFF086;
	s6 =	sadd.s32 @!p0 s3, s7;
	s7 =	simm.s32 @!p0 $0x108  }
0x21: {  	s3 =	sadd.s32 s3, s9;
	s6 =	sadd.s32 @!p0 $0x88, s6;
	s7 =	simm.s32 @p2 $0x1082  }
0x22: {  	[simem:s7], [sflag:s8] =	dma.local @!p0 [hbm:s6], $0xF7A  }
0x23: {  	s9 =	sor.u32 $0xD0000000, s2;
	s6 =	simm.s32 $0x108;
	_ =	swait.ge @!p0 [sflag:s8], $0x0  }
0x24: {  	s3 =	sadd.s32 $0x88, s3;
	s6 =	simm.s32 @!p1 $0x1082;
	[sflag:s4] =	ssyncset.s32 $0xFFFFF086  }
0x25: {  	[simem:s6], [sflag:s4] =	dma.local [hbm:s3], $0xF7A  }
0x26: {  	[smem:$0x3F9F] =	sst s1;
	(tag) =	ssettag s2;
	_ =	strace s9  }
0x27: {  	s1 =	sld [smem:$0x3FAF]  }
0x28: {  	s2 =	sld [smem:$0x3FB0]  }
0x29: {  	s4 =	sld [smem:$0x3FB2]  }
0x2a: {  	p0 =	seq.s32 s5, $0x0;
	s5 =	sld [smem:$0x3FB3]  }
0x2b: {  	s6 =	sld [smem:$0x3FB4]  }
0x2c: {  	s7 =	sld [smem:$0x3FB5]  }
0x2d: {  	s3 =	simm.s32 $0x108;
	s8 =	sld [smem:$0x3FB6]  }
0x2e: {  	s3 =	simm.s32 @!p0 $0x1082;
	s9 =	sld [smem:$0x3FB7]  }
0x2f: {  	lr =	sadd.s32 s0, s3;
	s0 =	sld [smem:$0x3FAE]  }
0x30: {  	s3 =	sld [smem:$0x3FB1]  }
0x31: {  	[smem:$0x3FBA] =	sst s10  }
0x32: {  	s10 =	sld [smem:$0x3FB8];
	_ =	sdelay $0x3  }
0x33: {  	p0 =	seq.s32 s10, $0x1;
	s10 =	sld [smem:$0x3FBA];
	_ =	sdelay $0x3  }
0x34: {  	[smem:$0x3FBA] =	sst s10  }
0x35: {  	s10 =	sld [smem:$0x3FB9];
	_ =	sdelay $0x3  }
0x36: {  	p1 =	seq.s32 s10, $0x1;
	s10 =	sld [smem:$0x3FBA];
	_ =	sdelay $0x3  }
0x37: {  	[smem:$0x3FBA] =	sst s10  }
0x38: {  	s10 =	sld [smem:$0x3FBB]  }
0x39: {  	_ = 	snop;
	(pc) =	sbr.ind lr, $3  }
0x3a: {  	_ = 	snop  }
0x3b: {  	_ = 	snop  }
0x3c: {  	p2 =	seq.s32 s10, $0x1;
	s10 =	sld [smem:$0x3FBA]  }
0x3d: {  	_ =	shalt  }
0x3e: {  	_ =	shalt  }
0x3f: {  	_ =	shalt  }
0x40: {  	_ =	shalt  }
0x41: {  	_ =	shalt  }
0x42: {  	_ =	shalt  }
0x43: {  	_ =	shalt  }
0x44: {  	_ =	shalt  }
0x45: {  	_ =	shalt  }
0x46: {  	_ =	shalt  }
0x47: {  	_ =	shalt  }
0x48: {  	_ =	shalt  }
0x49: {  	_ =	shalt  }
0x4a: {  	_ =	shalt  }
0x4b: {  	_ =	shalt  }
0x4c: {  	_ =	shalt  }
0x4d: {  	_ =	shalt  }
0x4e: {  	_ =	shalt  }
0x4f: {  	_ =	shalt  }
0x50: {  	_ =	shalt  }
0x51: {  	_ =	shalt  }
0x52: {  	_ =	shalt  }
0x53: {  	_ =	shalt  }
0x54: {  	_ =	shalt  }
0x55: {  	_ =	shalt  }
0x56: {  	_ =	shalt  }
0x57: {  	_ =	shalt  }
0x58: {  	_ =	shalt  }
0x59: {  	_ =	shalt  }
0x5a: {  	_ =	shalt  }
0x5b: {  	_ =	shalt  }
0x5c: {  	_ =	shalt  }
0x5d: {  	_ =	shalt  }
0x5e: {  	_ =	shalt  }
0x5f: {  	_ =	shalt  }
0x60: {  	_ =	shalt  }
0x61: {  	_ =	shalt  }
0x62: {  	_ =	shalt  }
0x63: {  	_ =	shalt  }
0x64: {  	_ =	shalt  }
0x65: {  	_ =	shalt  }
0x66: {  	_ =	shalt  }
0x67: {  	_ =	shalt  }
0x68: {  	_ =	shalt  }
0x69: {  	_ =	shalt  }
0x6a: {  	_ =	shalt  }
0x6b: {  	_ =	shalt  }
0x6c: {  	_ =	shalt  }
0x6d: {  	_ =	shalt  }
0x6e: {  	_ =	shalt  }
0x6f: {  	_ =	shalt  }
0x70: {  	_ =	shalt  }
0x71: {  	_ =	shalt  }
0x72: {  	_ =	shalt  }
0x73: {  	_ =	shalt  }
0x74: {  	_ =	shalt  }
0x75: {  	_ =	shalt  }
0x76: {  	_ =	shalt  }
0x77: {  	_ =	shalt  }
0x78: {  	_ =	shalt  }
0x79: {  	_ =	shalt  }
0x7a: {  	_ =	shalt  }
0x7b: {  	_ =	shalt  }
0x7c: {  	_ =	shalt  }
0x7d: {  	_ =	shalt  }
0x7e: {  	_ =	shalt  }
0x7f: {  	_ =	shalt  }
0x80: {  	_ =	shalt  }
0x81: {  	_ =	shalt  }
0x82: {  	_ =	shalt  }
0x83: {  	_ =	shalt  }
0x84: {  	_ =	shalt  }
0x85: {  	_ =	shalt  }
0x86: {  	_ =	shalt  }
0x87: {  	_ =	shalt  }
.Lfunc_end0:
.L_simem_size_0:
called_computation_lowered:
.L_overlay_start_0:
0x88: {  	s2 =	sld [smem:$0x3FD9]  }
0x89: {  	s3 =	sld [smem:$0x3FFE];
	_ =	sdelay $0x1  }
0x8a: {  	s1 =	srdreg.scid  }
0x8b: {  	s0 =	sand.u32 $0x1, s1  }
0x8c: {  	s16 =	sshll.u32 s0, $0xA;
	s2 =	sadd.s32 s3, s2  }
0x8d: {  	s2 =	sadd.s32 s2, s16  }
0x8e: {  	[smem:$0x3FC6] =	sst s2  }
0x8f: {  	_ = 	snop  }
0x90: {  	(tm) =	ssettm $0x1  }
0x91: {  	s17 =	sld [smem:$0x3FFB];
	_ =	sdelay $0x3  }
0x92: {  	_ =	strace s17  }
0x93: {  	s2 =	sld [smem:$0x3FFC];
	_ =	sdelay $0x3  }
0x94: {  	_ =	strace s2  }
0x95: {  	s2 =	sld [smem:$0x3FFD];
	_ =	sdelay $0x3  }
0x96: {  	_ =	strace s2  }
0x97: {  	_ =	strace $0x8FFFFFFF  }
0x98: {  	s18 =	sld [smem:$0x3FDB];
	_ =	sdelay $0x1  }
0x99: {  	s19 =	simm.s32 $_scs_section_size  }
0x9a: {  	s4 =	simm.s32 $_size__tile_overlayer_lowered;
	s5 =	simm.s32 $_tile_overlayer_lowered  }
0x9b: {  	s22 =	simm.s32 $0x1BFF;
	s21 =	sshll.u32 s5, $0x1;
	s2 =	sadd.s32 s19, s18  }
0x9c: {  	s6 =	simm.s32 $0x0;
	s20 =	sshll.u32 s4, $0x1;
	s4 =	sadd.s32 s21, s2  }
0x9d: {  	[timem:s6], [sflag:s22] =	dma.local [hbm:s4], s20  }
0x9e: {  	_ =	swait.ge [sflag:s22], s20  }
0x9f: {  	s3 =	ssub.s32 $0x0, s20;
	[sflag:s22] =	ssyncset.done $0x0  }
0xa0: {  	[sflag:s22] =	ssyncadd.s32 s3;
	_ =	sdelay $0x1  }
0xa1: {  	s23 =	simm.s32 $0x1B8B  }
0xa2: {  	_ =	swait.ge [sflag:s23], $0x1  }
0xa3: {  	[sflag:s23] =	ssyncset.done $0x0  }
0xa4: {  	s25 =	simm.s32 $0x1B8E;
	s24 =	sld [smem:$0x3FFE];
	[sflag:s23] =	ssyncadd.s32 $0xFFFFFFFF  }
0xa5: {  	s26 =	simm.s32 $execute0_lowered;
	[smem:$0x3FD2] =	sst s25  }
0xa6: {  	s4 =	sshll.u32 s26, $0x1;
	_ =	strace $0x80000046;
	[dreg:$0x1] =	wrdreg $0xFFFFFFFF  }
0xa7: {  	s28 =	simm.s32 $_size_execute0_lowered;
	s2 =	sadd.s32 s2, s4;
	[dreg:$0x0] =	wrdreg $0x0  }
0xa8: {  	s4 =	sshll.u32 s28, $0x1;
	[dreg:$0x2] =	wrdreg s2  }
0xa9: {  	[dreg:$0x3] =	wrdreg s4  }
0xaa: {  	[dreg:$0x4] =	wrdreg $0xC0  }
0xab: {  	_ =	task [dreg:s6], $0x5FFFF  }
0xac: {  	[dreg:$0x1] =	wrdreg $0xFFFFFFFF  }
0xad: {  	[dreg:$0x0] =	wrdreg $0x60  }
0xae: {  	[dreg:$0x2] =	wrdreg s24  }
0xaf: {  	[dreg:$0x3] =	wrdreg $0x2C000  }
0xb0: {  	[dreg:$0x4] =	wrdreg $0x9  }
0xb1: {  	_ =	task.clear_ibuf [dreg:s6], $0x5FFFF;
	_ =	strace $0x90000046  }
0xb2: {  	s29 =	simm.s32 $0x9;
	_ =	strace $0x80000048  }
0xb3: {  	_ =	swait.ge [sflag:s29], $0x1  }
0xb4: {  	[sflag:s29] =	ssyncadd.s32 $0xFFFFFFFF  }
0xb5: {  	_ =	strace $0x90000048  }
0xb6: {  	_ =	sfence  }
0xb7: {  	s30 =	sld [smem:$0x0];
	_ =	sdelay $0x2  }
0xb8: {  	s31 =	sshll.u32 s1, $0xD;
	s1 =	sshrl.u32 s1, $0x2  }
0xb9: {  	s3 =	sand.u32 $0x4000, s31;
	s1 =	sadd.s32 s1, s30  }
0xba: {  	s0 =	sor.u32 s3, s0;
	s1 =	sshll.u32 s1, $0x11  }
0xbb: {  	s0 =	sor.u32 s1, s0  }
0xbc: {  	s0 =	sadd.s32 $0x8F2B, s0  }
0xbd: {  	[sflag:s0] =	ssyncadd.remote.s32 $0x1  }
0xbe: {  	_ =	sfence.sel $0xFFFF  }
0xbf: {  	[dreg:$0x0] =	wrdreg $0xFFFFFFFF;
	(pc) =	sbr.abs _section_cstart, $3  }
0xc0: {  	[dreg:$0x1] =	wrdreg $0xFFFFFFFF  }
0xc1: {  	_ =	task.clear_ibuf [dreg:s6], $0x2FFFF;
	_ =	strace $0x9FFFFFFF  }
0xc2: {  	(tm) =	ssettm $0x7FFFFFFF  }
0xc3: {  	_ =	shalt  }
tec
execute0_lowered:
.L_overlay_start_1:
0x0: {  	(tag) =	ssettag $0x1  }
0x1: {  	s0 =	rddreg [dreg:$0x0]  }
0x2: {  	s1 =	rddreg [dreg:$0x1]  }
0x3: {  	s2 =	simm.s32 $0x0;
	s3 =	srdreg.scid;
	s10 =	stileid.u32  }
0x4: {  	s29 =	simm.s32 $0x1;
	[smem:$0x7FF] =	sst s2;
	s21 =	sand.u32 $0x1, s3  }
0x5: {  	s9 =	sshll.u32 s10, $0x7;
	s5 =	sadd.s32 $0x200, s0;
	s25 =	sshll.u32 s10, $0x1  }
0x6: {  	s10 =	sshll.u32 s10, $0xB;
	s4 =	smul.u32 $0x810, s21;
	_ =	strace $0x80000047  }
0x7: {  	s0 =	sadd.s32 s25, s0;
	s7 =	ssub.s32 $0x2, s21;
	s31 =	sshll.u32 s21, $0x5  }
0x8: {  	s10 =	sadd.s32 s10, s1;
	s30 =	sshrl.u32 s7, $0x1;
	s0 =	sadd.s32 s31, s0  }
0x9: {  	s6 =	sadd.s32 s9, s4;
	s8 =	sshrl.u32 s4, $0x3;
	s25 =	ssub.s32 s7, s30  }
0xa: {  	s9 =	sadd.s32 s9, s1;
	s24 =	sadd.s32 $0x1000, s0;
	s1 =	simm.s32 $0x0  }
0xb: {  	s26 =	sshrl.u32 s6, $0x3;
	s8 =	sadd.s32 s5, s8;
	s11 =	sadd.s32 $0x800, s9  }
0xc: {  	s12 =	sadd.s32 $0x1000, s9;
	s13 =	sadd.s32 $0x1800, s9;
	s14 =	sadd.s32 $0x2000, s9  }
0xd: {  	s15 =	sadd.s32 $0x2800, s9;
	s16 =	sadd.s32 $0x3000, s9;
	s17 =	sadd.s32 $0x3800, s9  }
0xe: {  	s18 =	sadd.s32 $0x4000, s9;
	s19 =	sadd.s32 $0x4800, s9;
	s20 =	sadd.s32 $0x5000, s9  }
0xf: {  	s21 =	sadd.s32 $0x5800, s9;
	s22 =	sadd.s32 $0x6000, s9;
	s23 =	sadd.s32 $0x6800, s9  }
0x10: {  	s25 =	smax.u32 s25, $0x1;
	s28 =	sadd.s32 $0x7800, s9;
	s3 =	sadd.s32 s5, s26  }
0x11: {  	s6 =	sadd.s32 $0x60C, s8;
	s7 =	sadd.s32 $0x810, s8;
	s8 =	sadd.s32 $0xA14, s8  }
0x12: {  	v0 =	vimm.f32 $3.399999950e+38;
	s26 =	sadd.s32 $0x7000, s9;
	s4 =	sadd.s32 $0x204, s3;
	s5 =	sadd.s32 $0x408, s3  }
.LBB2_1:
0x13: {  	[tilespmem:s2], [sflag:$0x1] =	stream.linear.gather [hbm4b:s3+s2], $0x80, $0x38;
	[tilespmem:$0x3400] =	vst v63  }
0x14: {  	_ =	swait.ge [sflag:s29], $0x80  }
0x15: {  	[sflag:s29] =	ssyncset.done $0x0  }
0x16: {  	s0 =	simm.s32 $0x80;
	[sflag:s29] =	ssyncadd.s32 $0xFFFFFF80  }
0x17: {  	[tilespmem:s0], [sflag:$0x1] =	stream.linear.gather [hbm4b:s4+s2], $0x80, $0x38;
	[tilespmem:$0x3400] =	vst v63  }
0x18: {  	_ =	swait.ge [sflag:s29], $0x80  }
0x19: {  	[sflag:s29] =	ssyncset.done $0x0  }
0x1a: {  	s0 =	simm.s32 $0x100;
	[sflag:s29] =	ssyncadd.s32 $0xFFFFFF80  }
0x1b: {  	[tilespmem:s0], [sflag:$0x1] =	stream.linear.gather [hbm4b:s5+s2], $0x80, $0x38;
	[tilespmem:$0x3400] =	vst v63  }
0x1c: {  	_ =	swait.ge [sflag:s29], $0x80  }
0x1d: {  	[sflag:s29] =	ssyncset.done $0x0  }
0x1e: {  	s0 =	simm.s32 $0x180;
	[sflag:s29] =	ssyncadd.s32 $0xFFFFFF80  }
0x1f: {  	[tilespmem:s0], [sflag:$0x1] =	stream.linear.gather [hbm4b:s6+s2], $0x810, $0x38;
	[tilespmem:$0x3400] =	vst v63  }
0x20: {  	_ =	swait.ge [sflag:s29], $0x810  }
0x21: {  	[sflag:s29] =	ssyncset.done $0x0  }
0x22: {  	s0 =	simm.s32 $0xA00;
	[sflag:s29] =	ssyncadd.s32 $0xFFFFF7F0  }
0x23: {  	[tilespmem:s0], [sflag:$0x1] =	stream.linear.gather [hbm4b:s7+s2], $0x810, $0x38;
	[tilespmem:$0x3400] =	vst v63  }
0x24: {  	_ =	swait.ge [sflag:s29], $0x810  }
0x25: {  	[sflag:s29] =	ssyncset.done $0x0  }
0x26: {  	s0 =	simm.s32 $0x1280;
	[sflag:s29] =	ssyncadd.s32 $0xFFFFF7F0  }
0x27: {  	[tilespmem:s0], [sflag:$0x1] =	stream.linear.gather [hbm4b:s8+s2], $0x810, $0x38;
	[tilespmem:$0x3400] =	vst v63  }
0x28: {  	_ =	swait.ge [sflag:s29], $0x810  }
0x29: {  	[sflag:s29] =	ssyncset.done $0x0  }
0x2a: {  	s30 =	simm.s32 $0x40;
	s31 =	simm.s32 $0x0;
	[sflag:s29] =	ssyncadd.s32 $0xFFFFF7F0  }
.LBB2_2:
0x2b: {  	p0 =	sne.s32 s30, $0x2000;
	[tilespmem:s31+$0x1B00] =	vst v0;
	s31 =	smov.u32 s30;
	s30 =	sadd.s32 $0x40, s30  }
.Ltmp0:
0x2c: {  	(pc) =	sbr.rel @p0 .LBB2_2-.Ltmp0, $2  }
0x2d: {  	_ =	sdelay $0x2  }
0x2e: {  	s31 =	sshra.s32 s31, $0x2  }
0x2f: {  	[tilespmem:s31+$0x1B00] =	vst v0  }
0x30: {  	v9 =	vld [tilespmem:$0x0]  }
0x31: {  	v10 =	vld [tilespmem:$0x10]  }
0x32: {  	v11 =	vld [tilespmem:$0x20]  }
0x33: {  	v12 =	vld [tilespmem:$0x30]  }
0x34: {  	v13 =	vld [tilespmem:$0x80]  }
0x35: {  	v14 =	vld [tilespmem:$0x100]  }
0x36: {  	v15 =	vld [tilespmem:$0x110]  }
0x37: {  	v16 =	vld [tilespmem:$0x120]  }
0x38: {  	v17 =	vld [tilespmem:$0x130]  }
0x39: {  	s30 =	simm.s32 $0x0;
	v18 =	vld [tilespmem:$0x140]  }
0x3a: {  	v1 =	vld [tilespmem:s30+$0x1280]  }
0x3b: {  	v19 =	vld [tilespmem:$0x150]  }
0x3c: {  	v20 =	vld [tilespmem:$0x160]  }
0x3d: {  	v21 =	vld [tilespmem:$0x170]  }
0x3e: {  	v37 =	vld [tilespmem:s30+$0x180]  }
0x3f: {  	v36 =	vld [tilespmem:s30+$0xA00]  }
0x40: {  	v22 =	vld [tilespmem:$0x90];
	v2 =	vsub.f32 v14, v1;
	v3 =	vsub.f32 v15, v1  }
0x41: {  	v23 =	vld [tilespmem:$0xA0];
	v4 =	vsub.f32 v16, v1;
	v5 =	vsub.f32 v17, v1  }
0x42: {  	v24 =	vld [tilespmem:$0xB0];
	v33 =	vsub.f32 v18, v1;
	v34 =	vsub.f32 v19, v1  }
0x43: {  	v25 =	vld [tilespmem:$0x40];
	v29 =	vsub.f32 v20, v1;
	v6 =	vsub.f32 v9, v37  }
0x44: {  	v26 =	vld [tilespmem:$0xC0];
	v30 =	vsub.f32 v21, v1;
	v7 =	vsub.f32 v13, v36  }
0x45: {  	v27 =	vld [tilespmem:$0x50];
	v8 =	vsub.f32 v10, v37;
	v31 =	vsub.f32 v22, v36  }
0x46: {  	v28 =	vld [tilespmem:$0xD0];
	v35 =	vsub.f32 v11, v37;
	v38 =	vsub.f32 v23, v36  }
0x47: {  	v1 =	vimm.f32 $3.399999950e+38;
	v48 =	vsub.f32 v12, v37;
	v50 =	vsub.f32 v24, v36  }
0x48: {  	v51 =	vsub.f32 v25, v37;
	v41 =	vmul.f32 v2, v2;
	v42 =	vmul.f32 v3, v3  }
0x49: {  	v52 =	vsub.f32 v26, v36;
	v39 =	vmul.f32 v4, v4;
	v40 =	vmul.f32 v5, v5  }
0x4a: {  	v32 =	vld [tilespmem:$0x60];
	v53 =	vsub.f32 v27, v37;
	v43 =	vmul.f32 v6, v6;
	v44 =	vmul.f32 v7, v7  }
0x4b: {  	v54 =	vsub.f32 v28, v36;
	v45 =	vmul.f32 v8, v8;
	v49 =	vmul.f32 v38, v38;
	v38 =	vld [tilespmem:$0xE0]  }
0x4c: {  	v46 =	vmul.f32 v31, v31;
	v47 =	vmul.f32 v35, v35;
	v31 =	vld [tilespmem:$0x70];
	v7 =	vimm.f32 $3.399999950e+38  }
0x4d: {  	v8 =	vimm.f32 $3.399999950e+38;
	v3 =	vimm.f32 $3.399999950e+38;
	v4 =	vimm.f32 $3.399999950e+38;
	v35 =	vld [tilespmem:$0xF0]  }
0x4e: {  	s31 =	simm.s32 $0x4;
	v5 =	vimm.f32 $3.399999950e+38;
	v6 =	vimm.f32 $3.399999950e+38;
	v2 =	vimm.f32 $3.399999950e+38  }
.LBB2_4:
0x4f: {  	p0 =	sne.s32 s31, $0x1FFC;
	v48 =	vmul.f32 v48, v48;
	v50 =	vmul.f32 v50, v50;
	v55 =	vsub.f32 v32, v37  }
0x50: {  	v51 =	vmul.f32 v51, v51;
	v52 =	vmul.f32 v52, v52;
	v56 =	vsub.f32 v38, v36  }
0x51: {  	v53 =	vmul.f32 v53, v53;
	v37 =	vsub.f32 v31, v37;
	v54 =	vmul.f32 v54, v54  }
0x52: {  	v36 =	vsub.f32 v35, v36;
	v55 =	vmul.f32 v55, v55;
	v56 =	vmul.f32 v56, v56  }
0x53: {  	v43 =	vadd.f32 v44, v43;
	v44 =	vadd.f32 v46, v45;
	v37 =	vmul.f32 v37, v37  }
0x54: {  	v45 =	vadd.f32 v49, v47;
	v46 =	vadd.f32 v50, v48;
	v36 =	vmul.f32 v36, v36  }
0x55: {  	v33 =	vmul.f32 v33, v33;
	v47 =	vadd.f32 v52, v51;
	v48 =	vadd.f32 v54, v53  }
0x56: {  	v34 =	vmul.f32 v34, v34;
	v49 =	vadd.f32 v56, v55;
	v36 =	vadd.f32 v36, v37  }
0x57: {  	s0 =	sshra.s32 s31, $0x2;
	v29 =	vmul.f32 v29, v29;
	v37 =	vadd.f32 v41, v43;
	v41 =	vadd.f32 v42, v44  }
0x58: {  	v30 =	vmul.f32 v30, v30;
	v39 =	vadd.f32 v39, v45;
	v40 =	vadd.f32 v40, v46;
	v42 =	vld [tilespmem:s0+$0x1280]  }
0x59: {  	v43 =	vadd.f32 v33, v47;
	v44 =	vadd.f32 v34, v48;
	v1 =	vmin.f32 v1, v37  }
0x5a: {  	v7 =	vmin.f32 v7, v41;
	v45 =	vadd.f32 v29, v49;
	v46 =	vadd.f32 v30, v36;
	v29 =	vld [tilespmem:s30+$0x1B00]  }
0x5b: {  	v8 =	vmin.f32 v8, v39;
	v3 =	vmin.f32 v3, v40;
	v30 =	vmin.f32 v37, v41  }
0x5c: {  	v33 =	vmin.f32 v39, v40;
	v34 =	vmin.f32 v43, v44;
	v39 =	vmin.f32 v45, v46;
	v37 =	vld [tilespmem:s0+$0x180]  }
0x5d: {  	v30 =	vmin.f32 v30, v33;
	v33 =	vmin.f32 v34, v39;
	v36 =	vld [tilespmem:s0+$0xA00];
	v40 =	vsub.f32 v14, v42  }
0x5e: {  	v30 =	vmin.f32 v30, v33;
	v39 =	vsub.f32 v15, v42;
	v47 =	vsub.f32 v16, v42  }
0x5f: {  	v49 =	vsub.f32 v17, v42;
	v33 =	vsub.f32 v18, v42;
	v30 =	vmin.f32 v29, v30  }
0x60: {  	v4 =	vmin.f32 v4, v43;
	v34 =	vsub.f32 v19, v42;
	v29 =	vsub.f32 v20, v42;
	[tilespmem:s30+$0x1B00] =	vst v30;
	s30 =	smov.u32 s0  }
0x61: {  	v5 =	vmin.f32 v5, v44;
	v30 =	vsub.f32 v21, v42;
	v43 =	vsub.f32 v9, v37  }
0x62: {  	v6 =	vmin.f32 v6, v45;
	v53 =	vsub.f32 v10, v37;
	v44 =	vsub.f32 v13, v36  }
0x63: {  	v2 =	vmin.f32 v2, v46;
	v55 =	vsub.f32 v11, v37;
	v54 =	vsub.f32 v22, v36  }
0x64: {  	v48 =	vsub.f32 v12, v37;
	v56 =	vsub.f32 v23, v36  }
.Ltmp1:
0x65: {  	v41 =	vmul.f32 v40, v40;
	v42 =	vmul.f32 v39, v39;
	v50 =	vsub.f32 v24, v36;
	(pc) =	sbr.rel @p0 .LBB2_4-.Ltmp1, $4  }
0x66: {  	v40 =	vmul.f32 v49, v49;
	v39 =	vmul.f32 v47, v47;
	v51 =	vsub.f32 v25, v37  }
0x67: {  	v52 =	vsub.f32 v26, v36;
	v43 =	vmul.f32 v43, v43;
	v44 =	vmul.f32 v44, v44  }
0x68: {  	v45 =	vmul.f32 v53, v53;
	v53 =	vsub.f32 v27, v37;
	v46 =	vmul.f32 v54, v54  }
0x69: {  	s31 =	sadd.s32 $0x4, s31;
	v47 =	vmul.f32 v55, v55;
	v49 =	vmul.f32 v56, v56;
	v54 =	vsub.f32 v28, v36  }
0x6a: {  	v9 =	vmul.f32 v48, v48;
	v10 =	vmul.f32 v50, v50;
	v11 =	vsub.f32 v32, v37  }
0x6b: {  	v12 =	vmul.f32 v51, v51;
	v13 =	vmul.f32 v52, v52;
	v14 =	vsub.f32 v38, v36  }
0x6c: {  	v15 =	vmul.f32 v53, v53;
	v17 =	vsub.f32 v31, v37;
	v18 =	vsub.f32 v35, v36  }
0x6d: {  	v19 =	vadd.f32 v44, v43;
	v20 =	vadd.f32 v46, v45;
	v56 =	vmul.f32 v29, v29  }
0x6e: {  	v16 =	vmul.f32 v54, v54;
	v21 =	vadd.f32 v49, v47;
	v11 =	vmul.f32 v11, v11  }
0x6f: {  	v14 =	vmul.f32 v14, v14;
	v17 =	vmul.f32 v17, v17;
	v9 =	vadd.f32 v10, v9  }
0x70: {  	v10 =	vmul.f32 v18, v18;
	v12 =	vadd.f32 v13, v12;
	v15 =	vadd.f32 v16, v15  }
0x71: {  	v13 =	vmul.f32 v33, v33;
	v57 =	vadd.f32 v39, v21;
	v11 =	vadd.f32 v14, v11  }
0x72: {  	v16 =	vmul.f32 v34, v34;
	v10 =	vadd.f32 v10, v17;
	v14 =	vadd.f32 v41, v19  }
0x73: {  	v17 =	vadd.f32 v42, v20;
	v58 =	vadd.f32 v40, v9;
	v9 =	vmul.f32 v30, v30  }
0x74: {  	v13 =	vadd.f32 v13, v12;
	v15 =	vadd.f32 v16, v15  }
0x75: {  	v16 =	vadd.f32 v56, v11;
	v59 =	vadd.f32 v9, v10;
	v9 =	vld [tilespmem:s30+$0x1B00]  }
0x76: {  	v10 =	vmin.f32 v14, v17  }
0x77: {  	v11 =	vmin.f32 v57, v58;
	v12 =	vmin.f32 v13, v15;
	v60 =	vmin.f32 v16, v59  }
0x78: {  	v10 =	vmin.f32 v10, v11;
	v11 =	vmin.f32 v12, v60  }
0x79: {  	v10 =	vmin.f32 v10, v11  }
0x7a: {  	v9 =	vmin.f32 v9, v10  }
0x7b: {  	[tilespmem:s30+$0x1B00] =	vst v9  }
0x7c: {  	v9 =	vld [tilespmem:$0x1B00]  }
0x7d: {  	v10 =	vld [tilespmem:$0x2300];
	_ =	sdelay $0x4  }
0x7e: {  	v9 =	vmin.f32 v9, v10  }
0x7f: {  	s0 =	simm.s32 $0x1B00;
	[tilespmem:$0x1B00] =	vst v9  }
0x80: {  	[spmem:s10] =	stream.linear.scatter [tilespmem:s0], [sflag:$0x1], $0x800, $0x38;
	[tilespmem:$0x3400] =	vst v63  }
0x81: {  	_ =	swait.ge [sflag:s29], $0x800  }
0x82: {  	[sflag:s29] =	ssyncset.done $0x0  }
0x83: {  	[sflag:s29] =	ssyncadd.s32 $0xFFFFF800  }
0x84: {  	s0 =	simm.s32 $0x2380;
	[bflag:$0x0] =	sbarrier.arrive $0xFFFF  }
0x85: {  	[tilespmem:s0], [sflag:$0x1] =	stream.linear.gather [spmem:s9], $0x80, $0x38;
	[tilespmem:$0x3400] =	vst v63  }
0x86: {  	_ =	swait.ge [sflag:s29], $0x80  }
0x87: {  	[sflag:s29] =	ssyncset.done $0x0  }
0x88: {  	s0 =	simm.s32 $0x2400;
	[sflag:s29] =	ssyncadd.s32 $0xFFFFFF80  }
0x89: {  	[tilespmem:s0], [sflag:$0x1] =	stream.linear.gather [spmem:s11], $0x80, $0x38;
	[tilespmem:$0x3400] =	vst v63  }
0x8a: {  	_ =	swait.ge [sflag:s29], $0x80  }
0x8b: {  	[sflag:s29] =	ssyncset.done $0x0  }
0x8c: {  	s0 =	simm.s32 $0x2480;
	[sflag:s29] =	ssyncadd.s32 $0xFFFFFF80  }
0x8d: {  	[tilespmem:s0], [sflag:$0x1] =	stream.linear.gather [spmem:s12], $0x80, $0x38;
	[tilespmem:$0x3400] =	vst v63  }
0x8e: {  	_ =	swait.ge [sflag:s29], $0x80  }
0x8f: {  	[sflag:s29] =	ssyncset.done $0x0  }
0x90: {  	s0 =	simm.s32 $0x2500;
	[sflag:s29] =	ssyncadd.s32 $0xFFFFFF80  }
0x91: {  	[tilespmem:s0], [sflag:$0x1] =	stream.linear.gather [spmem:s13], $0x80, $0x38;
	[tilespmem:$0x3400] =	vst v63  }
0x92: {  	_ =	swait.ge [sflag:s29], $0x80  }
0x93: {  	[sflag:s29] =	ssyncset.done $0x0  }
0x94: {  	s0 =	simm.s32 $0x2580;
	[sflag:s29] =	ssyncadd.s32 $0xFFFFFF80  }
0x95: {  	[tilespmem:s0], [sflag:$0x1] =	stream.linear.gather [spmem:s14], $0x80, $0x38;
	[tilespmem:$0x3400] =	vst v63  }
0x96: {  	_ =	swait.ge [sflag:s29], $0x80  }
0x97: {  	[sflag:s29] =	ssyncset.done $0x0  }
0x98: {  	s0 =	simm.s32 $0x2600;
	[sflag:s29] =	ssyncadd.s32 $0xFFFFFF80  }
0x99: {  	[tilespmem:s0], [sflag:$0x1] =	stream.linear.gather [spmem:s15], $0x80, $0x38;
	[tilespmem:$0x3400] =	vst v63  }
0x9a: {  	_ =	swait.ge [sflag:s29], $0x80  }
0x9b: {  	[sflag:s29] =	ssyncset.done $0x0  }
0x9c: {  	s0 =	simm.s32 $0x2680;
	[sflag:s29] =	ssyncadd.s32 $0xFFFFFF80  }
0x9d: {  	[tilespmem:s0], [sflag:$0x1] =	stream.linear.gather [spmem:s16], $0x80, $0x38;
	[tilespmem:$0x3400] =	vst v63  }
0x9e: {  	_ =	swait.ge [sflag:s29], $0x80  }
0x9f: {  	[sflag:s29] =	ssyncset.done $0x0  }
0xa0: {  	s0 =	simm.s32 $0x2700;
	[sflag:s29] =	ssyncadd.s32 $0xFFFFFF80  }
0xa1: {  	[tilespmem:s0], [sflag:$0x1] =	stream.linear.gather [spmem:s17], $0x80, $0x38;
	[tilespmem:$0x3400] =	vst v63  }
0xa2: {  	_ =	swait.ge [sflag:s29], $0x80  }
0xa3: {  	[sflag:s29] =	ssyncset.done $0x0  }
0xa4: {  	s0 =	simm.s32 $0x2780;
	[sflag:s29] =	ssyncadd.s32 $0xFFFFFF80  }
0xa5: {  	[tilespmem:s0], [sflag:$0x1] =	stream.linear.gather [spmem:s18], $0x80, $0x38;
	[tilespmem:$0x3400] =	vst v63  }
0xa6: {  	_ =	swait.ge [sflag:s29], $0x80  }
0xa7: {  	[sflag:s29] =	ssyncset.done $0x0  }
0xa8: {  	s0 =	simm.s32 $0x2800;
	[sflag:s29] =	ssyncadd.s32 $0xFFFFFF80  }
0xa9: {  	[tilespmem:s0], [sflag:$0x1] =	stream.linear.gather [spmem:s19], $0x80, $0x38;
	[tilespmem:$0x3400] =	vst v63  }
0xaa: {  	_ =	swait.ge [sflag:s29], $0x80  }
0xab: {  	[sflag:s29] =	ssyncset.done $0x0  }
0xac: {  	s0 =	simm.s32 $0x2880;
	[sflag:s29] =	ssyncadd.s32 $0xFFFFFF80  }
0xad: {  	[tilespmem:s0], [sflag:$0x1] =	stream.linear.gather [spmem:s20], $0x80, $0x38;
	[tilespmem:$0x3400] =	vst v63  }
0xae: {  	_ =	swait.ge [sflag:s29], $0x80  }
0xaf: {  	[sflag:s29] =	ssyncset.done $0x0  }
0xb0: {  	s0 =	simm.s32 $0x2900;
	[sflag:s29] =	ssyncadd.s32 $0xFFFFFF80  }
0xb1: {  	[tilespmem:s0], [sflag:$0x1] =	stream.linear.gather [spmem:s21], $0x80, $0x38;
	[tilespmem:$0x3400] =	vst v63  }
0xb2: {  	_ =	swait.ge [sflag:s29], $0x80  }
0xb3: {  	[sflag:s29] =	ssyncset.done $0x0  }
0xb4: {  	s0 =	simm.s32 $0x2980;
	[sflag:s29] =	ssyncadd.s32 $0xFFFFFF80  }
0xb5: {  	[tilespmem:s0], [sflag:$0x1] =	stream.linear.gather [spmem:s22], $0x80, $0x38;
	[tilespmem:$0x3400] =	vst v63  }
0xb6: {  	_ =	swait.ge [sflag:s29], $0x80  }
0xb7: {  	[sflag:s29] =	ssyncset.done $0x0  }
0xb8: {  	s0 =	simm.s32 $0x2A00;
	[sflag:s29] =	ssyncadd.s32 $0xFFFFFF80  }
0xb9: {  	[tilespmem:s0], [sflag:$0x1] =	stream.linear.gather [spmem:s23], $0x80, $0x38;
	[tilespmem:$0x3400] =	vst v63  }
0xba: {  	_ =	swait.ge [sflag:s29], $0x80  }
0xbb: {  	[sflag:s29] =	ssyncset.done $0x0  }
0xbc: {  	s0 =	simm.s32 $0x2A80;
	[sflag:s29] =	ssyncadd.s32 $0xFFFFFF80  }
0xbd: {  	[tilespmem:s0], [sflag:$0x1] =	stream.linear.gather [spmem:s26], $0x80, $0x38;
	[tilespmem:$0x3400] =	vst v63  }
0xbe: {  	_ =	swait.ge [sflag:s29], $0x80  }
0xbf: {  	[sflag:s29] =	ssyncset.done $0x0  }
0xc0: {  	s0 =	simm.s32 $0x2B00;
	[sflag:s29] =	ssyncadd.s32 $0xFFFFFF80  }
0xc1: {  	[tilespmem:s0], [sflag:$0x1] =	stream.linear.gather [spmem:s28], $0x80, $0x38;
	[tilespmem:$0x3400] =	vst v63  }
0xc2: {  	_ =	swait.ge [sflag:s29], $0x80  }
0xc3: {  	[sflag:s29] =	ssyncset.done $0x0  }
0xc4: {  	s0 =	simm.s32 $0xFFFFFF80;
	[sflag:s29] =	ssyncadd.s32 $0xFFFFFF80  }
0xc5: {  	v9 =	vld [tilespmem:s0+$0x2400]  }
0xc6: {  	v10 =	vld [tilespmem:s0+$0x2480]  }
0xc7: {  	v11 =	vld [tilespmem:s0+$0x2500]  }
0xc8: {  	v12 =	vld [tilespmem:s0+$0x2580]  }
0xc9: {  	v61 =	vld [tilespmem:s0+$0x2600]  }
0xca: {  	v22 =	vld [tilespmem:s0+$0x2680]  }
0xcb: {  	v9 =	vmin.f32 v9, v10;
	v10 =	vld [tilespmem:s0+$0x2700]  }
0xcc: {  	v9 =	vmin.f32 v9, v11;
	v11 =	vld [tilespmem:s0+$0x2780]  }
0xcd: {  	v9 =	vmin.f32 v9, v12;
	v12 =	vld [tilespmem:s0+$0x2800]  }
0xce: {  	v62 =	vld [tilespmem:s0+$0x2880];
	v9 =	vmin.f32 v9, v61  }
0xcf: {  	v63 =	vld [tilespmem:s0+$0x2900];
	v9 =	vmin.f32 v9, v22  }
0xd0: {  	v23 =	vld [tilespmem:s0+$0x2980];
	v9 =	vmin.f32 v9, v10  }
0xd1: {  	v10 =	vmin.f32 v1, v14;
	v1 =	vmin.f32 v9, v11;
	v11 =	vld [tilespmem:s0+$0x2A00]  }
0xd2: {  	v8 =	vmin.f32 v8, v57;
	v4 =	vmin.f32 v4, v13;
	v1 =	vmin.f32 v1, v12;
	v12 =	vld [tilespmem:s0+$0x2A80]  }
0xd3: {  	v2 =	vmin.f32 v2, v59;
	v13 =	vld [tilespmem:s0+$0x2B00];
	v9 =	vmin.f32 v7, v17;
	v14 =	vmin.f32 v1, v62  }
0xd4: {  	s30 =	simm.s32 $0xFFFFFF90;
	v7 =	vmin.f32 v3, v58;
	v1 =	vmin.f32 v6, v16;
	v6 =	vld [tilespmem:s0+$0x2B80];
	v14 =	vmin.f32 v14, v63  }
0xd5: {  	s31 =	simm.s32 $0xFFFFFE80;
	v3 =	vmin.f32 v5, v15;
	v5 =	vimm.f32 $0.0e+00;
	v15 =	vld [tilespmem:s30+$0x2400];
	v14 =	vmin.f32 v14, v23  }
.LBB2_6:
0xd6: {  	p0 =	sne.s32 s31, $0xFFFFFFC0;
	v16 =	vld [tilespmem:s30+$0x2480];
	v11 =	vmin.f32 v14, v11  }
0xd7: {  	v14 =	vld [tilespmem:s30+$0x2500];
	v11 =	vmin.f32 v11, v12  }
0xd8: {  	v12 =	vld [tilespmem:s30+$0x2580];
	v11 =	vmin.f32 v11, v13  }
0xd9: {  	v13 =	vld [tilespmem:s30+$0x2600];
	v6 =	vmin.f32 v11, v6  }
0xda: {  	v11 =	vld [tilespmem:s30+$0x2680];
	v5 =	vadd.f32 v6, v5  }
0xdb: {  	v6 =	vmin.f32 v15, v16;
	v15 =	vld [tilespmem:s30+$0x2700]  }
0xdc: {  	v6 =	vmin.f32 v6, v14;
	v14 =	vld [tilespmem:s30+$0x2780]  }
0xdd: {  	v6 =	vmin.f32 v6, v12;
	v12 =	vld [tilespmem:s30+$0x2800]  }
0xde: {  	v6 =	vmin.f32 v6, v13;
	v13 =	vld [tilespmem:s30+$0x2880]  }
0xdf: {  	v6 =	vmin.f32 v6, v11;
	v16 =	vld [tilespmem:s30+$0x2900]  }
0xe0: {  	v6 =	vmin.f32 v6, v15;
	v17 =	vld [tilespmem:s30+$0x2980]  }
.Ltmp2:
0xe1: {  	v6 =	vmin.f32 v6, v14;
	v11 =	vld [tilespmem:s30+$0x2A00];
	(pc) =	sbr.rel @p0 .LBB2_6-.Ltmp2, $4  }
0xe2: {  	v6 =	vmin.f32 v6, v12;
	v12 =	vld [tilespmem:s30+$0x2A80]  }
0xe3: {  	v6 =	vmin.f32 v6, v13;
	v13 =	vld [tilespmem:s30+$0x2B00]  }
0xe4: {  	v14 =	vmin.f32 v6, v16;
	v6 =	vld [tilespmem:s30+$0x2B80];
	s30 =	sshra.s32 s31, $0x2  }
0xe5: {  	s31 =	sadd.s32 $0x40, s31;
	v15 =	vld [tilespmem:s30+$0x2400];
	v14 =	vmin.f32 v14, v17  }
0xe6: {  	v16 =	vld [tilespmem:s30+$0x2480]  }
0xe7: {  	v17 =	vld [tilespmem:s30+$0x2500]  }
0xe8: {  	v18 =	vld [tilespmem:s30+$0x2580]  }
0xe9: {  	v19 =	vld [tilespmem:s30+$0x2600]  }
0xea: {  	v20 =	vld [tilespmem:s30+$0x2680]  }
0xeb: {  	v50 =	vld [tilespmem:s30+$0x2700];
	v15 =	vmin.f32 v15, v16  }
0xec: {  	v51 =	vld [tilespmem:s30+$0x2780];
	v10 =	vadd.f32 $0.0e+00, v10;
	v15 =	vmin.f32 v15, v17  }
0xed: {  	v52 =	vld [tilespmem:s30+$0x2800];
	v15 =	vmin.f32 v15, v18  }
0xee: {  	v53 =	vld [tilespmem:s30+$0x2880];
	v9 =	vadd.f32 v9, v10;
	v15 =	vmin.f32 v15, v19  }
0xef: {  	v54 =	vld [tilespmem:s30+$0x2900];
	v15 =	vmin.f32 v15, v20  }
0xf0: {  	v55 =	vld [tilespmem:s30+$0x2980];
	v8 =	vadd.f32 v8, v9;
	v15 =	vmin.f32 v15, v50  }
0xf1: {  	v56 =	vld [tilespmem:s30+$0x2A00];
	v15 =	vmin.f32 v15, v51  }
0xf2: {  	v57 =	vld [tilespmem:s30+$0x2A80];
	v7 =	vadd.f32 v7, v8;
	v15 =	vmin.f32 v15, v52  }
0xf3: {  	v58 =	vld [tilespmem:s30+$0x2B00];
	v10 =	vmin.f32 v15, v53  }
0xf4: {  	v11 =	vmin.f32 v14, v11;
	v59 =	vld [tilespmem:s30+$0x2B80];
	v4 =	vadd.f32 v4, v7;
	v10 =	vmin.f32 v10, v54  }
0xf5: {  	v60 =	vmin.f32 v11, v12;
	v9 =	vmin.f32 v10, v55  }
0xf6: {  	v7 =	vmin.f32 v60, v13;
	v3 =	vadd.f32 v3, v4;
	v9 =	vmin.f32 v9, v56  }
0xf7: {  	v61 =	vmin.f32 v7, v6;
	v62 =	vmin.f32 v9, v57  }
0xf8: {  	v4 =	vadd.f32 v61, v5;
	v1 =	vadd.f32 v1, v3;
	v63 =	vmin.f32 v62, v58  }
0xf9: {  	v3 =	vmin.f32 v63, v59  }
0xfa: {  	v1 =	vadd.f32 v2, v1;
	v3 =	vadd.f32 v3, v4;
	_ =	sdelay $0x1  }
0xfb: {  	v1 =	vadd.f32 v3, v1;
	_ =	sdelay $0x1  }
0xfc: {  	s1 =	sadd.s32 $0x1, s1;
	v1 =	vmul.f32 $6.103515630e-05, v1  }
0xfd: {  	p0 =	sne.s32 s1, s25  }
.Ltmp3:
0xfe: {  	s0 =	simm.s32 $0x2B80;
	[tilespmem:$0x2B80] =	vst v1;
	(pc) =	sbr.rel @p0 .LBB2_1-.Ltmp3, $4  }
0xff: {  	[hbm4b:s24+s2] =	stream.linear.scatter [tilespmem:s0], [sflag:$0x1], $0x10, $0x38;
	[tilespmem:$0x3400] =	vst v63  }
0x100: {  	_ =	swait.ge [sflag:s29], $0x10  }
0x101: {  	[sflag:s29] =	ssyncset.done $0x0  }
0x102: {  	[sflag:s29] =	ssyncadd.s32 $0xFFFFFFF0  }
0x103: {  	_ =	sfence.sel $0x180000  }
0x104: {  	[bflag:$0x0] =	sbarrier.arrive $0xFFFF  }
0x105: {  	_ =	strace $0x90000047  }
0x106: {  	s0 =	stileid.u32;
	[bflag:$0x2] =	sbarrier.arrive $0xFFFF  }
0x107: {  	p0 =	sne.s32 s0, $0x0;
	s0 =	rddreg [dreg:$0x2]  }
0x108: {  	s0 =	sadd.s32 @!p0 $0x100000, s0  }
0x109: {  	[sflag:s0] =	ssyncadd.tile.s32 @!p0 $0x1;
	_ =	shalt  }
.Lfunc_end2:
_tile_overlayer_lowered:
.L_overlay_start_2:
0x10a: {  	(tag) =	ssettag $0x2  }
0x10b: {  	s0 =	rddreg [dreg:$0x0];
	s2 =	stileid.u32  }
0x10c: {  	s1 =	rddreg [dreg:$0x1];
	p0 =	sne.s32 s2, $0x0  }
0x10d: {  	s3 =	rddreg [dreg:$0x2];
	[bflag:$0x3] =	sbarrier.arrive $0xFFFF;
	s2 =	simm.s32 @!p0 $0x1C01  }
0x10e: {  	[timem:s3], [sflag:s2] =	dma.local @!p0 [hbm:s0], s1  }
0x10f: {  	s0 =	simm.s32 @!p0 $0x1  }
0x110: {  	_ =	swait.ge @!p0 [sflag:s0], s1  }
0x111: {  	s1 =	ssub.s32 @!p0 $0x0, s1;
	[sflag:s0] =	ssyncset.done @!p0 $0x0  }
0x112: {  	[sflag:s0] =	ssyncadd.s32 @!p0 s1  }
0x113: {  	[bflag:$0x3] =	sbarrier.arrive $0xFFFF  }
0x114: {  	_ =	shalt  }

</sc_bundles>
